<compile_context>
chip_gen: v7x
topology: tpu7x:2x2x1
jax: 0.10.2.dev20260603
libtpu: 0.0.44.dev20260713+nightly
codegen_flags: <defaults>
</compile_context>

<pallas_src>
import functools

import jax
import jax.numpy as jnp
from jax import lax
from jax.experimental import pallas as pl
from jax.experimental.pallas import tpu as pltpu
from jax.experimental.pallas import tpu_sc as plsc

_THW = 1024
_HW = 256
_FN = 128
_BS = 8
_ROWS = _BS * _THW
_NW = 32
_CH = 128


def _tc_body(x_ref, a_ref, b_ref, c_ref, bc_ref, y_ref, z_ref, idx_ref):
    f32 = jnp.float32
    x = x_ref[...]
    xx = x * x
    ones = jnp.ones((1, _FN), f32)
    dn_t = (((1,), (1,)), ((), ()))
    dn_mm = (((1,), (0,)), ((), ()))
    sq_col = lax.dot_general(xx, ones, dn_t, preferred_element_type=f32)
    sq_row = lax.dot_general(ones, xx, dn_t, preferred_element_type=f32)
    g = lax.dot_general(x, x, dn_t, preferred_element_type=f32)
    d2 = sq_col + sq_row - 2.0 * g
    d2 = jnp.clip(d2, 1e-5, 100.0)

    rio = lax.broadcasted_iota(jnp.int32, (_THW, _THW), 0)
    cio = lax.broadcasted_iota(jnp.int32, (_THW, _THW), 1)
    same_frame = (rio // _HW) == (cio // _HW)
    d2 = jnp.where(same_frame, 1e9, d2)

    r1 = lax.broadcasted_iota(jnp.int32, (_THW, 1), 0)
    c0 = c_ref[0:1, :]
    c1 = c_ref[1:2, :]
    c2 = c_ref[2:3, :]
    in_t = ((r1 // 16) * 4).astype(f32)
    in_h = (r1 % 16).astype(f32)
    p_t = (r1 // _HW).astype(f32) * 0.25
    p_h = ((r1 // 16) % 16).astype(f32)
    p_w = (r1 % 16).astype(f32)
    z_ref[...] = (lax.dot_general(x, a_ref[...], dn_mm, preferred_element_type=f32)
                  + bc_ref[...] + in_t * c0 + in_h * c1)
    y_ref[...] = (lax.dot_general(x, b_ref[...], dn_mm, preferred_element_type=f32)
                  + p_t * c0 + p_h * c1 + p_w * c2)

    base = pl.program_id(0) * _THW
    cols = []
    cur = d2
    for _ in range(3):
        m = jnp.min(cur, axis=1, keepdims=True)
        cand = jnp.where(cur == m, cio, 2048)
        ik = jnp.min(cand, axis=1, keepdims=True)
        cols.append(ik + base)
        cur = jnp.where(cio == ik, 1e9, cur)
    cols.append(jnp.zeros((_THW, 5), jnp.int32))
    idx_ref[...] = jnp.concatenate(cols, axis=1)


def _sc_body(y_hbm, z_hbm, ix0_hbm, ix1_hbm, ix2_hbm, out_hbm,
             i0, i1, i2, g0, g1, g2, zb, sem):
    wid = lax.axis_index("s") * 2 + lax.axis_index("c")
    base = wid * (_ROWS // _NW)

    def chunk(c, carry):
        off = base + c * _CH
        pltpu.sync_copy(ix0_hbm.at[pl.ds(off, _CH)], i0)
        pltpu.sync_copy(ix1_hbm.at[pl.ds(off, _CH)], i1)
        pltpu.sync_copy(ix2_hbm.at[pl.ds(off, _CH)], i2)
        cp0 = pltpu.async_copy(y_hbm.at[i0], g0, sem)
        cp1 = pltpu.async_copy(y_hbm.at[i1], g1, sem)
        cp2 = pltpu.async_copy(y_hbm.at[i2], g2, sem)
        pltpu.sync_copy(z_hbm.at[pl.ds(off, _CH)], zb)
        cp0.wait()
        cp1.wait()
        cp2.wait()
        pltpu.sync_copy(zb, out_hbm.at[pl.ds(off, _CH)])
        return carry

    lax.fori_loop(0, (_ROWS // _NW) // _CH, chunk, 0)


def kernel(input, W1, b1, W2, b2, W3, b3):
    bs, t, fn, h, w = input.shape
    thw = t * h * w
    x = jnp.transpose(input, (0, 1, 3, 4, 2)).reshape(bs * thw, fn)

    M = W2.T @ W3.T
    Wc = W1.T @ M
    A = Wc[:fn]
    B = Wc[fn:2 * fn]
    Cpad = jnp.zeros((8, fn), jnp.float32).at[:3].set(Wc[2 * fn:])
    bc = (b1 @ M + b2 @ W3.T + b3).reshape(1, fn)

    y, z, idxp = pl.pallas_call(
        _tc_body,
        grid=(bs,),
        in_specs=[
            pl.BlockSpec((thw, fn), lambda i: (i, 0)),
            pl.BlockSpec((fn, fn), lambda i: (0, 0)),
            pl.BlockSpec((fn, fn), lambda i: (0, 0)),
            pl.BlockSpec((8, fn), lambda i: (0, 0)),
            pl.BlockSpec((1, fn), lambda i: (0, 0)),
        ],
        out_specs=[
            pl.BlockSpec((thw, fn), lambda i: (i, 0)),
            pl.BlockSpec((thw, fn), lambda i: (i, 0)),
            pl.BlockSpec((thw, 8), lambda i: (i, 0)),
        ],
        out_shape=[
            jax.ShapeDtypeStruct((bs * thw, fn), jnp.float32),
            jax.ShapeDtypeStruct((bs * thw, fn), jnp.float32),
            jax.ShapeDtypeStruct((bs * thw, 8), jnp.int32),
        ],
    )(x, A, B, Cpad, bc)

    ix0 = idxp[:, 0]
    ix1 = idxp[:, 1]
    ix2 = idxp[:, 2]

    mesh = plsc.VectorSubcoreMesh(core_axis_name="c", subcore_axis_name="s")
    sc = pl.kernel(
        _sc_body,
        mesh=mesh,
        out_type=jax.ShapeDtypeStruct((bs * thw, fn), jnp.float32),
        scratch_types=[
            pltpu.VMEM((_CH,), jnp.int32),
            pltpu.VMEM((_CH,), jnp.int32),
            pltpu.VMEM((_CH,), jnp.int32),
            pltpu.VMEM((_CH, fn), jnp.float32),
            pltpu.VMEM((_CH, fn), jnp.float32),
            pltpu.VMEM((_CH, fn), jnp.float32),
            pltpu.VMEM((_CH, fn), jnp.float32),
            pltpu.SemaphoreType.DMA,
        ],
    )
    out = sc(y, z, ix0, ix1, ix2)

    return jnp.transpose(out.reshape(bs, t, h, w, fn), (0, 1, 4, 2, 3))

# --- scband reference (transcript-rebuilt; emitter-appended) ---
"""Pipeline reference for scband-cpmodule-9019431321787 (READ-ONLY COPY).

The authoritative reference and input builder live on the scoring server;
editing this copy changes nothing except your own understanding.
"""

import jax, jax.numpy as jnp
import numpy as np


def _forward(input, W1, b1, W2, b2, W3, b3, k=3):
    bs, t, feature_num, h, w = input.shape
    hw = h * w
    thw = t * hw
    x = jnp.transpose(input, (0, 1, 3, 4, 2)).reshape(bs, thw, feature_num)
    sq = jnp.sum(x ** 2, axis=2)
    square1 = jnp.broadcast_to(sq[:, :, None], (bs, thw, thw))
    square2 = jnp.transpose(square1, (0, 2, 1))
    sim_unsqrt = square1 + square2 - 2.0 * jnp.matmul(x, jnp.transpose(x, (0, 2, 1)))
    similarity = jnp.sqrt(jnp.clip(sim_unsqrt, 1e-05, 100.0)) * -1.0
    xi = jnp.repeat(jnp.arange(thw), hw)
    yi = jnp.broadcast_to(jnp.arange(thw).reshape(t, 1, hw), (t, hw, hw)).reshape(-1)
    similarity = similarity.at[:, xi, yi].set(-1000.0)
    _, corres_idx = jax.lax.top_k(similarity, k)
    ci = corres_idx.reshape(-1)
    bs_idx = jnp.repeat(jnp.arange(bs), k * thw)
    correspondences = x[bs_idx, ci, :].reshape(bs, thw, k, feature_num)
    input_expanded = jnp.broadcast_to(x[:, :, None, :], (bs, thw, k, feature_num))
    feats = jnp.concatenate([input_expanded, correspondences], axis=3)
    corres_t = (ci // hw).astype(jnp.float32) / t
    corres_h = ((ci % hw) // w).astype(jnp.float32)
    corres_w = ((ci % hw) % w).astype(jnp.float32)
    corres_pos = jnp.stack([corres_t, corres_h, corres_w], axis=1).reshape(bs, thw, k, 3)
    ii = jnp.repeat(jnp.broadcast_to(jnp.arange(thw)[None, :], (bs, thw)).reshape(-1), k)
    in_t = ((ii // h) * w).astype(jnp.float32) / t
    in_h = (((ii % h) * w) // w).astype(jnp.float32)
    in_w = (((ii % h) * w) % w).astype(jnp.float32)
    input_pos = jnp.stack([in_t, in_h, in_w], axis=1).reshape(bs, thw, k, 3) * -1.0
    displacements = corres_pos - input_pos
    mlp_in = jnp.concatenate([feats, displacements], axis=3).reshape(-1, feature_num * 2 + 3)
    out = mlp_in @ W1.T + b1
    out = out @ W2.T + b2
    out = out @ W3.T + b3
    out = out.reshape(bs, thw, k, feature_num)
    max_mlp = jnp.max(out, axis=2).reshape(bs, t, h, w, feature_num)
    embedded = jnp.transpose(max_mlp, (0, 1, 4, 2, 3))
    return embedded


def setup_inputs(seed: int = 0) -> dict:
    key = jax.random.key(seed)
    ks = jax.random.split(key, 4)
    bs, t, feature_num, h, w = 8, 4, 128, 16, 16
    d_in = feature_num * 2 + 3
    return {
        "input": jax.random.normal(ks[0], (bs, t, feature_num, h, w), dtype=jnp.float32),
        "W1": jax.random.normal(ks[1], (16, d_in), dtype=jnp.float32) * (1.0 / np.sqrt(d_in)),
        "b1": jnp.zeros((16,), dtype=jnp.float32),
        "W2": jax.random.normal(ks[2], (8, 16), dtype=jnp.float32) * 0.25,
        "b2": jnp.zeros((8,), dtype=jnp.float32),
        "W3": jax.random.normal(ks[3], (feature_num, 8), dtype=jnp.float32) * (1.0 / np.sqrt(8)),
        "b3": jnp.zeros((feature_num,), dtype=jnp.float32),
    }


def reference(input, W1, b1, W2, b2, W3, b3):
    return _forward(input, W1, b1, W2, b2, W3, b3, k=3)

if __name__ == "__main__":
    import jax
    _d = setup_inputs()
    print(jax.jit(kernel)(*tuple(_d.values())))

</pallas_src>

<mosaic_0001>
#map = affine_map<(d0, d1) -> (0, 0)>
#map1 = affine_map<(d0, d1) -> (0)>
module attributes {stable_mosaic.version = 14 : i64} {
  func.func @_sc_body(%arg0: i32, %arg1: i32, %arg2: memref<8192x128xf32, #tpu.memory_space<hbm>>, %arg3: memref<8192x128xf32, #tpu.memory_space<hbm>>, %arg4: memref<8192xi32, #tpu.memory_space<hbm>>, %arg5: memref<8192xi32, #tpu.memory_space<hbm>>, %arg6: memref<8192xi32, #tpu.memory_space<hbm>>, %arg7: memref<8192x128xf32, #tpu.memory_space<hbm>>, %arg8: memref<128xi32, #tpu.memory_space<vmem>>, %arg9: memref<128xi32, #tpu.memory_space<vmem>>, %arg10: memref<128xi32, #tpu.memory_space<vmem>>, %arg11: memref<128x128xf32, #tpu.memory_space<vmem>>, %arg12: memref<128x128xf32, #tpu.memory_space<vmem>>, %arg13: memref<128x128xf32, #tpu.memory_space<vmem>>, %arg14: memref<128x128xf32, #tpu.memory_space<vmem>>, %arg15: memref<!tpu.dma_semaphore, #tpu.memory_space<semaphore_mem>>) attributes {dimension_semantics = [#tpu.dimension_semantics<core_parallel>, #tpu.dimension_semantics<subcore_parallel>], iteration_bounds = array<i64: 2, 16>, scalar_prefetch = 0 : i64, scratch_operands = 8 : i64, tpu.core_type = #tpu.core_type<sc_vector_subcore>, window_params = [{transform_indices = #map}, {transform_indices = #map}, {transform_indices = #map1}, {transform_indices = #map1}, {transform_indices = #map1}, {transform_indices = #map}]} {
    %mul3A = arith.constant 2 : i32
    %mul3A_0 = arith.muli %arg1, %mul3A : i32
    %add3A = arith.addi %mul3A_0, %arg0 : i32
    %mul3A_1 = arith.constant 256 : i32
    %mul3A_2 = arith.muli %add3A, %mul3A_1 : i32
    %scan3A = arith.constant 0 : i32
    %scan3A_3 = arith.constant 0 : i32
    %scan3A_4 = arith.constant 2 : i32
    %scan3A_5 = arith.addi %scan3A_3, %scan3A_4 : i32
    %scan3A_6 = arith.constant 1 : i32
    scf.for %scan3A_8 = %scan3A_3 to %scan3A_5 step %scan3A_6  : i32 {
      %mul3A_9 = arith.constant 128 : i32
      %mul3A_10 = arith.muli %scan3A_8, %mul3A_9 : i32
      %add3A_11 = arith.addi %mul3A_2, %mul3A_10 : i32
      "tpu.region"() ({
        %run_scoped3A = tpu.sem_alloc : memref<!tpu.dma_semaphore, #tpu.memory_space<semaphore_mem>>
        %dma_start3A_28 = tpu.memref_slice %arg4[%add3A_11] : memref<8192xi32, #tpu.memory_space<hbm>> -> memref<128xi32, #tpu.memory_space<hbm>>
        %dma_start3A_29 = tpu.memref_slice %arg4[%add3A_11] : memref<8192xi32, #tpu.memory_space<hbm>> -> memref<128xi32, #tpu.memory_space<hbm>>
        tpu.enqueue_dma source(%dma_start3A_29 : memref<128xi32, #tpu.memory_space<hbm>>) target(%arg8 : memref<128xi32, #tpu.memory_space<vmem>>) target_semaphore(%run_scoped3A : memref<!tpu.dma_semaphore, #tpu.memory_space<semaphore_mem>>)
        %dma_wait3A_30 = tpu.memref_slice %arg4[%add3A_11] : memref<8192xi32, #tpu.memory_space<hbm>> -> memref<128xi32, #tpu.memory_space<hbm>>
        %dma_wait3A_31 = tpu.memref_slice %arg4[%add3A_11] : memref<8192xi32, #tpu.memory_space<hbm>> -> memref<128xi32, #tpu.memory_space<hbm>>
        tpu.wait_dma2 semaphore(%run_scoped3A : memref<!tpu.dma_semaphore, #tpu.memory_space<semaphore_mem>>) src(%dma_wait3A_31 : memref<128xi32, #tpu.memory_space<hbm>>) dst(%arg8 : memref<128xi32, #tpu.memory_space<vmem>>)
        tpu.yield
      }) : () -> ()
      "tpu.region"() ({
        %run_scoped3A = tpu.sem_alloc : memref<!tpu.dma_semaphore, #tpu.memory_space<semaphore_mem>>
        %dma_start3A_28 = tpu.memref_slice %arg5[%add3A_11] : memref<8192xi32, #tpu.memory_space<hbm>> -> memref<128xi32, #tpu.memory_space<hbm>>
        %dma_start3A_29 = tpu.memref_slice %arg5[%add3A_11] : memref<8192xi32, #tpu.memory_space<hbm>> -> memref<128xi32, #tpu.memory_space<hbm>>
        tpu.enqueue_dma source(%dma_start3A_29 : memref<128xi32, #tpu.memory_space<hbm>>) target(%arg9 : memref<128xi32, #tpu.memory_space<vmem>>) target_semaphore(%run_scoped3A : memref<!tpu.dma_semaphore, #tpu.memory_space<semaphore_mem>>)
        %dma_wait3A_30 = tpu.memref_slice %arg5[%add3A_11] : memref<8192xi32, #tpu.memory_space<hbm>> -> memref<128xi32, #tpu.memory_space<hbm>>
        %dma_wait3A_31 = tpu.memref_slice %arg5[%add3A_11] : memref<8192xi32, #tpu.memory_space<hbm>> -> memref<128xi32, #tpu.memory_space<hbm>>
        tpu.wait_dma2 semaphore(%run_scoped3A : memref<!tpu.dma_semaphore, #tpu.memory_space<semaphore_mem>>) src(%dma_wait3A_31 : memref<128xi32, #tpu.memory_space<hbm>>) dst(%arg9 : memref<128xi32, #tpu.memory_space<vmem>>)
        tpu.yield
      }) : () -> ()
      "tpu.region"() ({
        %run_scoped3A = tpu.sem_alloc : memref<!tpu.dma_semaphore, #tpu.memory_space<semaphore_mem>>
        %dma_start3A_28 = tpu.memref_slice %arg6[%add3A_11] : memref<8192xi32, #tpu.memory_space<hbm>> -> memref<128xi32, #tpu.memory_space<hbm>>
        %dma_start3A_29 = tpu.memref_slice %arg6[%add3A_11] : memref<8192xi32, #tpu.memory_space<hbm>> -> memref<128xi32, #tpu.memory_space<hbm>>
        tpu.enqueue_dma source(%dma_start3A_29 : memref<128xi32, #tpu.memory_space<hbm>>) target(%arg10 : memref<128xi32, #tpu.memory_space<vmem>>) target_semaphore(%run_scoped3A : memref<!tpu.dma_semaphore, #tpu.memory_space<semaphore_mem>>)
        %dma_wait3A_30 = tpu.memref_slice %arg6[%add3A_11] : memref<8192xi32, #tpu.memory_space<hbm>> -> memref<128xi32, #tpu.memory_space<hbm>>
        %dma_wait3A_31 = tpu.memref_slice %arg6[%add3A_11] : memref<8192xi32, #tpu.memory_space<hbm>> -> memref<128xi32, #tpu.memory_space<hbm>>
        tpu.wait_dma2 semaphore(%run_scoped3A : memref<!tpu.dma_semaphore, #tpu.memory_space<semaphore_mem>>) src(%dma_wait3A_31 : memref<128xi32, #tpu.memory_space<hbm>>) dst(%arg10 : memref<128xi32, #tpu.memory_space<vmem>>)
        tpu.yield
      }) : () -> ()
      %dma_start3A = arith.constant 0 : i32
      %dma_start3A_12 = arith.constant 0 : i32
      %dma_start3A_13 = tpu.memref_slice %arg2[%dma_start3A, %dma_start3A_12] : memref<8192x128xf32, #tpu.memory_space<hbm>> -> memref<8192x128xf32, #tpu.memory_space<hbm>>
      tpu.enqueue_indirect_dma source(%dma_start3A_13 : memref<8192x128xf32, #tpu.memory_space<hbm>>) target(%arg11 : memref<128x128xf32, #tpu.memory_space<vmem>>) offsets(%arg8 : memref<128xi32, #tpu.memory_space<vmem>>) semaphore(%arg15 : memref<!tpu.dma_semaphore, #tpu.memory_space<semaphore_mem>>)
      %dma_start3A_14 = arith.constant 0 : i32
      %dma_start3A_15 = arith.constant 0 : i32
      %dma_start3A_16 = tpu.memref_slice %arg2[%dma_start3A_14, %dma_start3A_15] : memref<8192x128xf32, #tpu.memory_space<hbm>> -> memref<8192x128xf32, #tpu.memory_space<hbm>>
      tpu.enqueue_indirect_dma source(%dma_start3A_16 : memref<8192x128xf32, #tpu.memory_space<hbm>>) target(%arg12 : memref<128x128xf32, #tpu.memory_space<vmem>>) offsets(%arg9 : memref<128xi32, #tpu.memory_space<vmem>>) semaphore(%arg15 : memref<!tpu.dma_semaphore, #tpu.memory_space<semaphore_mem>>)
      %dma_start3A_17 = arith.constant 0 : i32
      %dma_start3A_18 = arith.constant 0 : i32
      %dma_start3A_19 = tpu.memref_slice %arg2[%dma_start3A_17, %dma_start3A_18] : memref<8192x128xf32, #tpu.memory_space<hbm>> -> memref<8192x128xf32, #tpu.memory_space<hbm>>
      tpu.enqueue_indirect_dma source(%dma_start3A_19 : memref<8192x128xf32, #tpu.memory_space<hbm>>) target(%arg13 : memref<128x128xf32, #tpu.memory_space<vmem>>) offsets(%arg10 : memref<128xi32, #tpu.memory_space<vmem>>) semaphore(%arg15 : memref<!tpu.dma_semaphore, #tpu.memory_space<semaphore_mem>>)
      "tpu.region"() ({
        %run_scoped3A = tpu.sem_alloc : memref<!tpu.dma_semaphore, #tpu.memory_space<semaphore_mem>>
        %dma_start3A_28 = arith.constant 0 : i32
        %dma_start3A_29 = tpu.memref_slice %arg3[%add3A_11, %dma_start3A_28] : memref<8192x128xf32, #tpu.memory_space<hbm>> -> memref<128x128xf32, #tpu.memory_space<hbm>>
        %dma_start3A_30 = arith.constant 0 : i32
        %dma_start3A_31 = tpu.memref_slice %arg3[%add3A_11, %dma_start3A_30] : memref<8192x128xf32, #tpu.memory_space<hbm>> -> memref<128x128xf32, #tpu.memory_space<hbm>>
        tpu.enqueue_dma source(%dma_start3A_31 : memref<128x128xf32, #tpu.memory_space<hbm>>) target(%arg14 : memref<128x128xf32, #tpu.memory_space<vmem>>) target_semaphore(%run_scoped3A : memref<!tpu.dma_semaphore, #tpu.memory_space<semaphore_mem>>)
        %dma_wait3A_32 = arith.constant 0 : i32
        %dma_wait3A_33 = tpu.memref_slice %arg3[%add3A_11, %dma_wait3A_32] : memref<8192x128xf32, #tpu.memory_space<hbm>> -> memref<128x128xf32, #tpu.memory_space<hbm>>
        %dma_wait3A_34 = arith.constant 0 : i32
        %dma_wait3A_35 = tpu.memref_slice %arg3[%add3A_11, %dma_wait3A_34] : memref<8192x128xf32, #tpu.memory_space<hbm>> -> memref<128x128xf32, #tpu.memory_space<hbm>>
        tpu.wait_dma2 semaphore(%run_scoped3A : memref<!tpu.dma_semaphore, #tpu.memory_space<semaphore_mem>>) src(%dma_wait3A_35 : memref<128x128xf32, #tpu.memory_space<hbm>>) dst(%arg14 : memref<128x128xf32, #tpu.memory_space<vmem>>)
        tpu.yield
      }) : () -> ()
      %dma_wait3A = arith.constant 0 : i32
      %dma_wait3A_20 = arith.constant 0 : i32
      %dma_wait3A_21 = tpu.memref_slice %arg2[%dma_wait3A, %dma_wait3A_20] : memref<8192x128xf32, #tpu.memory_space<hbm>> -> memref<8192x128xf32, #tpu.memory_space<hbm>>
      tpu.wait_indirect_dma semaphore(%arg15 : memref<!tpu.dma_semaphore, #tpu.memory_space<semaphore_mem>>) src(%dma_wait3A_21 : memref<8192x128xf32, #tpu.memory_space<hbm>>) dst(%arg11 : memref<128x128xf32, #tpu.memory_space<vmem>>)
      %dma_wait3A_22 = arith.constant 0 : i32
      %dma_wait3A_23 = arith.constant 0 : i32
      %dma_wait3A_24 = tpu.memref_slice %arg2[%dma_wait3A_22, %dma_wait3A_23] : memref<8192x128xf32, #tpu.memory_space<hbm>> -> memref<8192x128xf32, #tpu.memory_space<hbm>>
      tpu.wait_indirect_dma semaphore(%arg15 : memref<!tpu.dma_semaphore, #tpu.memory_space<semaphore_mem>>) src(%dma_wait3A_24 : memref<8192x128xf32, #tpu.memory_space<hbm>>) dst(%arg12 : memref<128x128xf32, #tpu.memory_space<vmem>>)
      %dma_wait3A_25 = arith.constant 0 : i32
      %dma_wait3A_26 = arith.constant 0 : i32
      %dma_wait3A_27 = tpu.memref_slice %arg2[%dma_wait3A_25, %dma_wait3A_26] : memref<8192x128xf32, #tpu.memory_space<hbm>> -> memref<8192x128xf32, #tpu.memory_space<hbm>>
      tpu.wait_indirect_dma semaphore(%arg15 : memref<!tpu.dma_semaphore, #tpu.memory_space<semaphore_mem>>) src(%dma_wait3A_27 : memref<8192x128xf32, #tpu.memory_space<hbm>>) dst(%arg13 : memref<128x128xf32, #tpu.memory_space<vmem>>)
      "tpu.region"() ({
        %run_scoped3A = tpu.sem_alloc : memref<!tpu.dma_semaphore, #tpu.memory_space<semaphore_mem>>
        %dma_start3A_28 = arith.constant 0 : i32
        %dma_start3A_29 = tpu.memref_slice %arg7[%add3A_11, %dma_start3A_28] : memref<8192x128xf32, #tpu.memory_space<hbm>> -> memref<128x128xf32, #tpu.memory_space<hbm>>
        %dma_start3A_30 = arith.constant 0 : i32
        %dma_start3A_31 = tpu.memref_slice %arg7[%add3A_11, %dma_start3A_30] : memref<8192x128xf32, #tpu.memory_space<hbm>> -> memref<128x128xf32, #tpu.memory_space<hbm>>
        tpu.enqueue_dma source(%arg14 : memref<128x128xf32, #tpu.memory_space<vmem>>) target(%dma_start3A_31 : memref<128x128xf32, #tpu.memory_space<hbm>>) target_semaphore(%run_scoped3A : memref<!tpu.dma_semaphore, #tpu.memory_space<semaphore_mem>>)
        %dma_wait3A_32 = arith.constant 0 : i32
        %dma_wait3A_33 = tpu.memref_slice %arg7[%add3A_11, %dma_wait3A_32] : memref<8192x128xf32, #tpu.memory_space<hbm>> -> memref<128x128xf32, #tpu.memory_space<hbm>>
        %dma_wait3A_34 = arith.constant 0 : i32
        %dma_wait3A_35 = tpu.memref_slice %arg7[%add3A_11, %dma_wait3A_34] : memref<8192x128xf32, #tpu.memory_space<hbm>> -> memref<128x128xf32, #tpu.memory_space<hbm>>
        tpu.wait_dma2 semaphore(%run_scoped3A : memref<!tpu.dma_semaphore, #tpu.memory_space<semaphore_mem>>) src(%arg14 : memref<128x128xf32, #tpu.memory_space<vmem>>) dst(%dma_wait3A_35 : memref<128x128xf32, #tpu.memory_space<hbm>>)
        tpu.yield
      }) : () -> ()
    }
    %scan3A_7 = arith.constant 2 : i32
    return
  }
}

module attributes {stable_mosaic.version = 14 : i64} {
  func.func @_tc_body(%arg0: i32, %arg1: memref<1024x128xf32, #tpu.memory_space<vmem>>, %arg2: memref<128x128xf32, #tpu.memory_space<vmem>>, %arg3: memref<128x128xf32, #tpu.memory_space<vmem>>, %arg4: memref<8x128xf32, #tpu.memory_space<vmem>>, %arg5: memref<1x128xf32, #tpu.memory_space<vmem>>, %arg6: memref<1024x128xf32, #tpu.memory_space<vmem>>, %arg7: memref<1024x128xf32, #tpu.memory_space<vmem>>, %arg8: memref<1024x8xi32, #tpu.memory_space<vmem>>) attributes {dimension_semantics = [#tpu.dimension_semantics<arbitrary>], iteration_bounds = array<i64: 8>, scalar_prefetch = 0 : i64, scratch_operands = 0 : i64, tpu.core_type = #tpu.core_type<tc>, window_params = [{transform_indices = @transform_0, window_bounds = array<i64: 1024, 128>}, {pipeline_mode = #tpu.pipeline_mode<synchronous>, transform_indices = @transform_1, window_bounds = array<i64: 128, 128>}, {pipeline_mode = #tpu.pipeline_mode<synchronous>, transform_indices = @transform_2, window_bounds = array<i64: 128, 128>}, {pipeline_mode = #tpu.pipeline_mode<synchronous>, transform_indices = @transform_3, window_bounds = array<i64: 8, 128>}, {pipeline_mode = #tpu.pipeline_mode<synchronous>, transform_indices = @transform_4, window_bounds = array<i64: 1, 128>}, {transform_indices = @transform_5, window_bounds = array<i64: 1024, 128>}, {transform_indices = @transform_6, window_bounds = array<i64: 1024, 128>}, {transform_indices = @transform_7, window_bounds = array<i64: 1024, 8>}]} {
    %get3A = arith.constant 0 : index
    %get3A_0 = arith.constant 0 : index
    %get3A_1 = vector.load %arg1[%get3A, %get3A_0] : memref<1024x128xf32, #tpu.memory_space<vmem>>, vector<1024x128xf32>
    %mul3A = arith.mulf %get3A_1, %get3A_1 : vector<1024x128xf32>
    %broadcast_in_dim3A = arith.constant 1.000000e+00 : f32
    %broadcast_in_dim3A_2 = vector.broadcast %broadcast_in_dim3A : f32 to vector<1x128xf32>
    %dot_general3A = arith.constant dense<0.000000e+00> : vector<1024x1xf32>
    %dot_general3A_3 = tpu.matmul %mul3A, %broadcast_in_dim3A_2, %dot_general3A {dimension_numbers = #tpu.dot_dimension_numbers<[1], [1], [0], [0], [0, 0, 1, 0], [], []>, transpose_lhs_hint = false} : vector<1024x128xf32>, vector<1x128xf32>, vector<1024x1xf32> -> vector<1024x1xf32>
    %dot_general3A_4 = arith.constant dense<0.000000e+00> : vector<1x1024xf32>
    %dot_general3A_5 = tpu.matmul %broadcast_in_dim3A_2, %mul3A, %dot_general3A_4 {dimension_numbers = #tpu.dot_dimension_numbers<[1], [1], [0], [0], [0, 0, 1, 0], [], []>, transpose_lhs_hint = false} : vector<1x128xf32>, vector<1024x128xf32>, vector<1x1024xf32> -> vector<1x1024xf32>
    %dot_general3A_6 = arith.constant dense<0.000000e+00> : vector<1024x1024xf32>
    %dot_general3A_7 = tpu.matmul %get3A_1, %get3A_1, %dot_general3A_6 {dimension_numbers = #tpu.dot_dimension_numbers<[1], [1], [0], [0], [0, 0, 1, 0], [], []>, transpose_lhs_hint = false} : vector<1024x128xf32>, vector<1024x128xf32>, vector<1024x1024xf32> -> vector<1024x1024xf32>
    %add3A = vector.broadcast %dot_general3A_3 : vector<1024x1xf32> to vector<1024x1024xf32>
    %add3A_8 = vector.broadcast %dot_general3A_5 : vector<1x1024xf32> to vector<1024x1024xf32>
    %add3A_9 = arith.addf %add3A, %add3A_8 : vector<1024x1024xf32>
    %mul3A_10 = arith.constant 2.000000e+00 : f32
    %mul3A_11 = vector.broadcast %mul3A_10 : f32 to vector<1024x1024xf32>
    %mul3A_12 = arith.mulf %mul3A_11, %dot_general3A_7 : vector<1024x1024xf32>
    %sub3A = arith.subf %add3A_9, %mul3A_12 : vector<1024x1024xf32>
    %jit3A = arith.constant 9.99999974E-6 : f32
    %jit3A_13 = arith.constant 1.000000e+02 : f32
    %max3A = vector.broadcast %jit3A : f32 to vector<1024x1024xf32>
    %max3A_14 = arith.maximumf %max3A, %sub3A : vector<1024x1024xf32>
    %min3A = vector.broadcast %jit3A_13 : f32 to vector<1024x1024xf32>
    %min3A_15 = arith.minimumf %min3A, %max3A_14 : vector<1024x1024xf32>
    %iota3A = tpu.iota {dimensions = array<i32: 0>} : vector<1024x1024xi32>
    %iota3A_16 = tpu.iota {dimensions = array<i32: 1>} : vector<1024x1024xi32>
    %jit3A_17 = arith.constant 256 : i32
    %div3A = vector.broadcast %jit3A_17 : i32 to vector<1024x1024xi32>
    %div3A_18 = arith.divsi %iota3A, %div3A : vector<1024x1024xi32>
    %sign3A = arith.constant 0 : i32
    %sign3A_19 = vector.broadcast %sign3A : i32 to vector<1024x1024xi32>
    %sign3A_20 = arith.cmpi sgt, %iota3A, %sign3A_19 : vector<1024x1024xi32>
    %sign3A_21 = arith.extui %sign3A_20 : vector<1024x1024xi1> to vector<1024x1024xi32>
    %sign3A_22 = arith.constant 0 : i32
    %sign3A_23 = vector.broadcast %sign3A_22 : i32 to vector<1024x1024xi32>
    %sign3A_24 = arith.cmpi slt, %iota3A, %sign3A_23 : vector<1024x1024xi32>
    %sign3A_25 = arith.extui %sign3A_24 : vector<1024x1024xi1> to vector<1024x1024xi32>
    %sign3A_26 = arith.subi %sign3A_21, %sign3A_25 : vector<1024x1024xi32>
    %sign3A_27 = arith.constant 0 : i32
    %sign3A_28 = arith.cmpi sgt, %jit3A_17, %sign3A_27 : i32
    %sign3A_29 = arith.extui %sign3A_28 : i1 to i32
    %sign3A_30 = arith.constant 0 : i32
    %sign3A_31 = arith.cmpi slt, %jit3A_17, %sign3A_30 : i32
    %sign3A_32 = arith.extui %sign3A_31 : i1 to i32
    %sign3A_33 = arith.subi %sign3A_29, %sign3A_32 : i32
    %ne3A = vector.broadcast %sign3A_33 : i32 to vector<1024x1024xi32>
    %ne3A_34 = arith.cmpi ne, %sign3A_26, %ne3A : vector<1024x1024xi32>
    %rem3A = vector.broadcast %jit3A_17 : i32 to vector<1024x1024xi32>
    %rem3A_35 = arith.remsi %iota3A, %rem3A : vector<1024x1024xi32>
    %ne3A_36 = arith.constant 0 : i32
    %ne3A_37 = vector.broadcast %ne3A_36 : i32 to vector<1024x1024xi32>
    %ne3A_38 = arith.cmpi ne, %rem3A_35, %ne3A_37 : vector<1024x1024xi32>
    %and3A = arith.andi %ne3A_34, %ne3A_38 : vector<1024x1024xi1>
    %sub3A_39 = arith.constant 1 : i32
    %sub3A_40 = vector.broadcast %sub3A_39 : i32 to vector<1024x1024xi32>
    %sub3A_41 = arith.subi %div3A_18, %sub3A_40 : vector<1024x1024xi32>
    %select_n3A = arith.select %and3A, %sub3A_41, %div3A_18 : vector<1024x1024xi1>, vector<1024x1024xi32>
    %jit3A_42 = arith.constant 256 : i32
    %div3A_43 = vector.broadcast %jit3A_42 : i32 to vector<1024x1024xi32>
    %div3A_44 = arith.divsi %iota3A_16, %div3A_43 : vector<1024x1024xi32>
    %sign3A_45 = arith.constant 0 : i32
    %sign3A_46 = vector.broadcast %sign3A_45 : i32 to vector<1024x1024xi32>
    %sign3A_47 = arith.cmpi sgt, %iota3A_16, %sign3A_46 : vector<1024x1024xi32>
    %sign3A_48 = arith.extui %sign3A_47 : vector<1024x1024xi1> to vector<1024x1024xi32>
    %sign3A_49 = arith.constant 0 : i32
    %sign3A_50 = vector.broadcast %sign3A_49 : i32 to vector<1024x1024xi32>
    %sign3A_51 = arith.cmpi slt, %iota3A_16, %sign3A_50 : vector<1024x1024xi32>
    %sign3A_52 = arith.extui %sign3A_51 : vector<1024x1024xi1> to vector<1024x1024xi32>
    %sign3A_53 = arith.subi %sign3A_48, %sign3A_52 : vector<1024x1024xi32>
    %sign3A_54 = arith.constant 0 : i32
    %sign3A_55 = arith.cmpi sgt, %jit3A_42, %sign3A_54 : i32
    %sign3A_56 = arith.extui %sign3A_55 : i1 to i32
    %sign3A_57 = arith.constant 0 : i32
    %sign3A_58 = arith.cmpi slt, %jit3A_42, %sign3A_57 : i32
    %sign3A_59 = arith.extui %sign3A_58 : i1 to i32
    %sign3A_60 = arith.subi %sign3A_56, %sign3A_59 : i32
    %ne3A_61 = vector.broadcast %sign3A_60 : i32 to vector<1024x1024xi32>
    %ne3A_62 = arith.cmpi ne, %sign3A_53, %ne3A_61 : vector<1024x1024xi32>
    %rem3A_63 = vector.broadcast %jit3A_42 : i32 to vector<1024x1024xi32>
    %rem3A_64 = arith.remsi %iota3A_16, %rem3A_63 : vector<1024x1024xi32>
    %ne3A_65 = arith.constant 0 : i32
    %ne3A_66 = vector.broadcast %ne3A_65 : i32 to vector<1024x1024xi32>
    %ne3A_67 = arith.cmpi ne, %rem3A_64, %ne3A_66 : vector<1024x1024xi32>
    %and3A_68 = arith.andi %ne3A_62, %ne3A_67 : vector<1024x1024xi1>
    %sub3A_69 = arith.constant 1 : i32
    %sub3A_70 = vector.broadcast %sub3A_69 : i32 to vector<1024x1024xi32>
    %sub3A_71 = arith.subi %div3A_44, %sub3A_70 : vector<1024x1024xi32>
    %select_n3A_72 = arith.select %and3A_68, %sub3A_71, %div3A_44 : vector<1024x1024xi1>, vector<1024x1024xi32>
    %eq3A = arith.cmpi eq, %select_n3A, %select_n3A_72 : vector<1024x1024xi32>
    %jit3A_73 = arith.constant 1.000000e+09 : f32
    %broadcast_in_dim3A_74 = vector.broadcast %jit3A_73 : f32 to vector<1024x1024xf32>
    %select_n3A_75 = arith.select %eq3A, %broadcast_in_dim3A_74, %min3A_15 : vector<1024x1024xi1>, vector<1024x1024xf32>
    %iota3A_76 = tpu.iota {dimensions = array<i32: 0>} : vector<1024x1xi32>
    %get3A_77 = arith.constant 0 : index
    %get3A_78 = arith.constant 0 : index
    %get3A_79 = vector.load %arg4[%get3A_77, %get3A_78] : memref<8x128xf32, #tpu.memory_space<vmem>>, vector<1x128xf32>
    %get3A_80 = arith.constant 1 : index
    %get3A_81 = arith.constant 0 : index
    %get3A_82 = vector.load %arg4[%get3A_80, %get3A_81] : memref<8x128xf32, #tpu.memory_space<vmem>>, vector<1x128xf32>
    %get3A_83 = arith.constant 2 : index
    %get3A_84 = arith.constant 0 : index
    %get3A_85 = vector.load %arg4[%get3A_83, %get3A_84] : memref<8x128xf32, #tpu.memory_space<vmem>>, vector<1x128xf32>
    %jit3A_86 = arith.constant 16 : i32
    %div3A_87 = vector.broadcast %jit3A_86 : i32 to vector<1024x1xi32>
    %div3A_88 = arith.divsi %iota3A_76, %div3A_87 : vector<1024x1xi32>
    %sign3A_89 = arith.constant 0 : i32
    %sign3A_90 = vector.broadcast %sign3A_89 : i32 to vector<1024x1xi32>
    %sign3A_91 = arith.cmpi sgt, %iota3A_76, %sign3A_90 : vector<1024x1xi32>
    %sign3A_92 = arith.extui %sign3A_91 : vector<1024x1xi1> to vector<1024x1xi32>
    %sign3A_93 = arith.constant 0 : i32
    %sign3A_94 = vector.broadcast %sign3A_93 : i32 to vector<1024x1xi32>
    %sign3A_95 = arith.cmpi slt, %iota3A_76, %sign3A_94 : vector<1024x1xi32>
    %sign3A_96 = arith.extui %sign3A_95 : vector<1024x1xi1> to vector<1024x1xi32>
    %sign3A_97 = arith.subi %sign3A_92, %sign3A_96 : vector<1024x1xi32>
    %sign3A_98 = arith.constant 0 : i32
    %sign3A_99 = arith.cmpi sgt, %jit3A_86, %sign3A_98 : i32
    %sign3A_100 = arith.extui %sign3A_99 : i1 to i32
    %sign3A_101 = arith.constant 0 : i32
    %sign3A_102 = arith.cmpi slt, %jit3A_86, %sign3A_101 : i32
    %sign3A_103 = arith.extui %sign3A_102 : i1 to i32
    %sign3A_104 = arith.subi %sign3A_100, %sign3A_103 : i32
    %ne3A_105 = vector.broadcast %sign3A_104 : i32 to vector<1024x1xi32>
    %ne3A_106 = arith.cmpi ne, %sign3A_97, %ne3A_105 : vector<1024x1xi32>
    %rem3A_107 = vector.broadcast %jit3A_86 : i32 to vector<1024x1xi32>
    %rem3A_108 = arith.remsi %iota3A_76, %rem3A_107 : vector<1024x1xi32>
    %ne3A_109 = arith.constant 0 : i32
    %ne3A_110 = vector.broadcast %ne3A_109 : i32 to vector<1024x1xi32>
    %ne3A_111 = arith.cmpi ne, %rem3A_108, %ne3A_110 : vector<1024x1xi32>
    %and3A_112 = arith.andi %ne3A_106, %ne3A_111 : vector<1024x1xi1>
    %sub3A_113 = arith.constant 1 : i32
    %sub3A_114 = vector.broadcast %sub3A_113 : i32 to vector<1024x1xi32>
    %sub3A_115 = arith.subi %div3A_88, %sub3A_114 : vector<1024x1xi32>
    %select_n3A_116 = arith.select %and3A_112, %sub3A_115, %div3A_88 : vector<1024x1xi1>, vector<1024x1xi32>
    %mul3A_117 = arith.constant 4 : i32
    %mul3A_118 = vector.broadcast %mul3A_117 : i32 to vector<1024x1xi32>
    %mul3A_119 = arith.muli %select_n3A_116, %mul3A_118 : vector<1024x1xi32>
    %convert_element_type3A = arith.sitofp %mul3A_119 : vector<1024x1xi32> to vector<1024x1xf32>
    %jit3A_120 = arith.constant 16 : i32
    %eq3A_121 = arith.constant 0 : i32
    %eq3A_122 = arith.cmpi eq, %jit3A_120, %eq3A_121 : i32
    %jit3A_123 = arith.constant 1 : i32
    %select_n3A_124 = arith.select %eq3A_122, %jit3A_123, %jit3A_120 : i32
    %rem3A_125 = vector.broadcast %select_n3A_124 : i32 to vector<1024x1xi32>
    %rem3A_126 = arith.remsi %iota3A_76, %rem3A_125 : vector<1024x1xi32>
    %ne3A_127 = arith.constant 0 : i32
    %ne3A_128 = vector.broadcast %ne3A_127 : i32 to vector<1024x1xi32>
    %ne3A_129 = arith.cmpi ne, %rem3A_126, %ne3A_128 : vector<1024x1xi32>
    %lt3A = arith.constant 0 : i32
    %lt3A_130 = vector.broadcast %lt3A : i32 to vector<1024x1xi32>
    %lt3A_131 = arith.cmpi slt, %rem3A_126, %lt3A_130 : vector<1024x1xi32>
    %lt3A_132 = arith.constant 0 : i32
    %lt3A_133 = arith.cmpi slt, %select_n3A_124, %lt3A_132 : i32
    %ne3A_134 = vector.broadcast %lt3A_133 : i1 to vector<1024x1xi1>
    %ne3A_135 = vector.broadcast %ne3A_134 : vector<1024x1xi1> to vector<1024x1xi1>
    %ne3A_136 = arith.xori %lt3A_131, %ne3A_135 : vector<1024x1xi1>
    %and3A_137 = arith.andi %ne3A_136, %ne3A_129 : vector<1024x1xi1>
    %add3A_138 = vector.broadcast %select_n3A_124 : i32 to vector<1024x1xi32>
    %add3A_139 = arith.addi %rem3A_126, %add3A_138 : vector<1024x1xi32>
    %select_n3A_140 = arith.select %and3A_137, %add3A_139, %rem3A_126 : vector<1024x1xi1>, vector<1024x1xi32>
    %convert_element_type3A_141 = arith.sitofp %select_n3A_140 : vector<1024x1xi32> to vector<1024x1xf32>
    %jit3A_142 = arith.constant 256 : i32
    %div3A_143 = vector.broadcast %jit3A_142 : i32 to vector<1024x1xi32>
    %div3A_144 = arith.divsi %iota3A_76, %div3A_143 : vector<1024x1xi32>
    %sign3A_145 = arith.constant 0 : i32
    %sign3A_146 = vector.broadcast %sign3A_145 : i32 to vector<1024x1xi32>
    %sign3A_147 = arith.cmpi sgt, %iota3A_76, %sign3A_146 : vector<1024x1xi32>
    %sign3A_148 = arith.extui %sign3A_147 : vector<1024x1xi1> to vector<1024x1xi32>
    %sign3A_149 = arith.constant 0 : i32
    %sign3A_150 = vector.broadcast %sign3A_149 : i32 to vector<1024x1xi32>
    %sign3A_151 = arith.cmpi slt, %iota3A_76, %sign3A_150 : vector<1024x1xi32>
    %sign3A_152 = arith.extui %sign3A_151 : vector<1024x1xi1> to vector<1024x1xi32>
    %sign3A_153 = arith.subi %sign3A_148, %sign3A_152 : vector<1024x1xi32>
    %sign3A_154 = arith.constant 0 : i32
    %sign3A_155 = arith.cmpi sgt, %jit3A_142, %sign3A_154 : i32
    %sign3A_156 = arith.extui %sign3A_155 : i1 to i32
    %sign3A_157 = arith.constant 0 : i32
    %sign3A_158 = arith.cmpi slt, %jit3A_142, %sign3A_157 : i32
    %sign3A_159 = arith.extui %sign3A_158 : i1 to i32
    %sign3A_160 = arith.subi %sign3A_156, %sign3A_159 : i32
    %ne3A_161 = vector.broadcast %sign3A_160 : i32 to vector<1024x1xi32>
    %ne3A_162 = arith.cmpi ne, %sign3A_153, %ne3A_161 : vector<1024x1xi32>
    %rem3A_163 = vector.broadcast %jit3A_142 : i32 to vector<1024x1xi32>
    %rem3A_164 = arith.remsi %iota3A_76, %rem3A_163 : vector<1024x1xi32>
    %ne3A_165 = arith.constant 0 : i32
    %ne3A_166 = vector.broadcast %ne3A_165 : i32 to vector<1024x1xi32>
    %ne3A_167 = arith.cmpi ne, %rem3A_164, %ne3A_166 : vector<1024x1xi32>
    %and3A_168 = arith.andi %ne3A_162, %ne3A_167 : vector<1024x1xi1>
    %sub3A_169 = arith.constant 1 : i32
    %sub3A_170 = vector.broadcast %sub3A_169 : i32 to vector<1024x1xi32>
    %sub3A_171 = arith.subi %div3A_144, %sub3A_170 : vector<1024x1xi32>
    %select_n3A_172 = arith.select %and3A_168, %sub3A_171, %div3A_144 : vector<1024x1xi1>, vector<1024x1xi32>
    %convert_element_type3A_173 = arith.sitofp %select_n3A_172 : vector<1024x1xi32> to vector<1024x1xf32>
    %mul3A_174 = arith.constant 2.500000e-01 : f32
    %mul3A_175 = vector.broadcast %mul3A_174 : f32 to vector<1024x1xf32>
    %mul3A_176 = arith.mulf %convert_element_type3A_173, %mul3A_175 : vector<1024x1xf32>
    %jit3A_177 = arith.constant 16 : i32
    %div3A_178 = vector.broadcast %jit3A_177 : i32 to vector<1024x1xi32>
    %div3A_179 = arith.divsi %iota3A_76, %div3A_178 : vector<1024x1xi32>
    %sign3A_180 = arith.constant 0 : i32
    %sign3A_181 = vector.broadcast %sign3A_180 : i32 to vector<1024x1xi32>
    %sign3A_182 = arith.cmpi sgt, %iota3A_76, %sign3A_181 : vector<1024x1xi32>
    %sign3A_183 = arith.extui %sign3A_182 : vector<1024x1xi1> to vector<1024x1xi32>
    %sign3A_184 = arith.constant 0 : i32
    %sign3A_185 = vector.broadcast %sign3A_184 : i32 to vector<1024x1xi32>
    %sign3A_186 = arith.cmpi slt, %iota3A_76, %sign3A_185 : vector<1024x1xi32>
    %sign3A_187 = arith.extui %sign3A_186 : vector<1024x1xi1> to vector<1024x1xi32>
    %sign3A_188 = arith.subi %sign3A_183, %sign3A_187 : vector<1024x1xi32>
    %sign3A_189 = arith.constant 0 : i32
    %sign3A_190 = arith.cmpi sgt, %jit3A_177, %sign3A_189 : i32
    %sign3A_191 = arith.extui %sign3A_190 : i1 to i32
    %sign3A_192 = arith.constant 0 : i32
    %sign3A_193 = arith.cmpi slt, %jit3A_177, %sign3A_192 : i32
    %sign3A_194 = arith.extui %sign3A_193 : i1 to i32
    %sign3A_195 = arith.subi %sign3A_191, %sign3A_194 : i32
    %ne3A_196 = vector.broadcast %sign3A_195 : i32 to vector<1024x1xi32>
    %ne3A_197 = arith.cmpi ne, %sign3A_188, %ne3A_196 : vector<1024x1xi32>
    %rem3A_198 = vector.broadcast %jit3A_177 : i32 to vector<1024x1xi32>
    %rem3A_199 = arith.remsi %iota3A_76, %rem3A_198 : vector<1024x1xi32>
    %ne3A_200 = arith.constant 0 : i32
    %ne3A_201 = vector.broadcast %ne3A_200 : i32 to vector<1024x1xi32>
    %ne3A_202 = arith.cmpi ne, %rem3A_199, %ne3A_201 : vector<1024x1xi32>
    %and3A_203 = arith.andi %ne3A_197, %ne3A_202 : vector<1024x1xi1>
    %sub3A_204 = arith.constant 1 : i32
    %sub3A_205 = vector.broadcast %sub3A_204 : i32 to vector<1024x1xi32>
    %sub3A_206 = arith.subi %div3A_179, %sub3A_205 : vector<1024x1xi32>
    %select_n3A_207 = arith.select %and3A_203, %sub3A_206, %div3A_179 : vector<1024x1xi1>, vector<1024x1xi32>
    %jit3A_208 = arith.constant 16 : i32
    %eq3A_209 = arith.constant 0 : i32
    %eq3A_210 = arith.cmpi eq, %jit3A_208, %eq3A_209 : i32
    %jit3A_211 = arith.constant 1 : i32
    %select_n3A_212 = arith.select %eq3A_210, %jit3A_211, %jit3A_208 : i32
    %rem3A_213 = vector.broadcast %select_n3A_212 : i32 to vector<1024x1xi32>
    %rem3A_214 = arith.remsi %select_n3A_207, %rem3A_213 : vector<1024x1xi32>
    %ne3A_215 = arith.constant 0 : i32
    %ne3A_216 = vector.broadcast %ne3A_215 : i32 to vector<1024x1xi32>
    %ne3A_217 = arith.cmpi ne, %rem3A_214, %ne3A_216 : vector<1024x1xi32>
    %lt3A_218 = arith.constant 0 : i32
    %lt3A_219 = vector.broadcast %lt3A_218 : i32 to vector<1024x1xi32>
    %lt3A_220 = arith.cmpi slt, %rem3A_214, %lt3A_219 : vector<1024x1xi32>
    %lt3A_221 = arith.constant 0 : i32
    %lt3A_222 = arith.cmpi slt, %select_n3A_212, %lt3A_221 : i32
    %ne3A_223 = vector.broadcast %lt3A_222 : i1 to vector<1024x1xi1>
    %ne3A_224 = vector.broadcast %ne3A_223 : vector<1024x1xi1> to vector<1024x1xi1>
    %ne3A_225 = arith.xori %lt3A_220, %ne3A_224 : vector<1024x1xi1>
    %and3A_226 = arith.andi %ne3A_225, %ne3A_217 : vector<1024x1xi1>
    %add3A_227 = vector.broadcast %select_n3A_212 : i32 to vector<1024x1xi32>
    %add3A_228 = arith.addi %rem3A_214, %add3A_227 : vector<1024x1xi32>
    %select_n3A_229 = arith.select %and3A_226, %add3A_228, %rem3A_214 : vector<1024x1xi1>, vector<1024x1xi32>
    %convert_element_type3A_230 = arith.sitofp %select_n3A_229 : vector<1024x1xi32> to vector<1024x1xf32>
    %jit3A_231 = arith.constant 16 : i32
    %eq3A_232 = arith.constant 0 : i32
    %eq3A_233 = arith.cmpi eq, %jit3A_231, %eq3A_232 : i32
    %jit3A_234 = arith.constant 1 : i32
    %select_n3A_235 = arith.select %eq3A_233, %jit3A_234, %jit3A_231 : i32
    %rem3A_236 = vector.broadcast %select_n3A_235 : i32 to vector<1024x1xi32>
    %rem3A_237 = arith.remsi %iota3A_76, %rem3A_236 : vector<1024x1xi32>
    %ne3A_238 = arith.constant 0 : i32
    %ne3A_239 = vector.broadcast %ne3A_238 : i32 to vector<1024x1xi32>
    %ne3A_240 = arith.cmpi ne, %rem3A_237, %ne3A_239 : vector<1024x1xi32>
    %lt3A_241 = arith.constant 0 : i32
    %lt3A_242 = vector.broadcast %lt3A_241 : i32 to vector<1024x1xi32>
    %lt3A_243 = arith.cmpi slt, %rem3A_237, %lt3A_242 : vector<1024x1xi32>
    %lt3A_244 = arith.constant 0 : i32
    %lt3A_245 = arith.cmpi slt, %select_n3A_235, %lt3A_244 : i32
    %ne3A_246 = vector.broadcast %lt3A_245 : i1 to vector<1024x1xi1>
    %ne3A_247 = vector.broadcast %ne3A_246 : vector<1024x1xi1> to vector<1024x1xi1>
    %ne3A_248 = arith.xori %lt3A_243, %ne3A_247 : vector<1024x1xi1>
    %and3A_249 = arith.andi %ne3A_248, %ne3A_240 : vector<1024x1xi1>
    %add3A_250 = vector.broadcast %select_n3A_235 : i32 to vector<1024x1xi32>
    %add3A_251 = arith.addi %rem3A_237, %add3A_250 : vector<1024x1xi32>
    %select_n3A_252 = arith.select %and3A_249, %add3A_251, %rem3A_237 : vector<1024x1xi1>, vector<1024x1xi32>
    %convert_element_type3A_253 = arith.sitofp %select_n3A_252 : vector<1024x1xi32> to vector<1024x1xf32>
    %get3A_254 = arith.constant 0 : index
    %get3A_255 = arith.constant 0 : index
    %get3A_256 = vector.load %arg2[%get3A_254, %get3A_255] : memref<128x128xf32, #tpu.memory_space<vmem>>, vector<128x128xf32>
    %dot_general3A_257 = arith.constant dense<0.000000e+00> : vector<1024x128xf32>
    %dot_general3A_258 = tpu.matmul %get3A_1, %get3A_256, %dot_general3A_257 {dimension_numbers = #tpu.dot_dimension_numbers<[1], [0], [0], [1], [0, 0, 1, 1], [], []>, transpose_lhs_hint = false} : vector<1024x128xf32>, vector<128x128xf32>, vector<1024x128xf32> -> vector<1024x128xf32>
    %get3A_259 = arith.constant 0 : index
    %get3A_260 = arith.constant 0 : index
    %get3A_261 = vector.load %arg5[%get3A_259, %get3A_260] : memref<1x128xf32, #tpu.memory_space<vmem>>, vector<1x128xf32>
    %add3A_262 = vector.broadcast %get3A_261 : vector<1x128xf32> to vector<1024x128xf32>
    %add3A_263 = arith.addf %dot_general3A_258, %add3A_262 : vector<1024x128xf32>
    %mul3A_264 = vector.broadcast %convert_element_type3A : vector<1024x1xf32> to vector<1024x128xf32>
    %mul3A_265 = vector.broadcast %get3A_79 : vector<1x128xf32> to vector<1024x128xf32>
    %mul3A_266 = arith.mulf %mul3A_264, %mul3A_265 : vector<1024x128xf32>
    %add3A_267 = arith.addf %add3A_263, %mul3A_266 : vector<1024x128xf32>
    %mul3A_268 = vector.broadcast %convert_element_type3A_141 : vector<1024x1xf32> to vector<1024x128xf32>
    %mul3A_269 = vector.broadcast %get3A_82 : vector<1x128xf32> to vector<1024x128xf32>
    %mul3A_270 = arith.mulf %mul3A_268, %mul3A_269 : vector<1024x128xf32>
    %add3A_271 = arith.addf %add3A_267, %mul3A_270 : vector<1024x128xf32>
    %swap3A = arith.constant 0 : index
    %swap3A_272 = arith.constant 0 : index
    %swap3A_273 = vector.load %arg7[%swap3A, %swap3A_272] : memref<1024x128xf32, #tpu.memory_space<vmem>>, vector<1024x128xf32>
    tpu.vector_store %arg7[%swap3A, %swap3A_272], %add3A_271 {strides = array<i32>} : memref<1024x128xf32, #tpu.memory_space<vmem>>, vector<1024x128xf32>,
    %get3A_274 = arith.constant 0 : index
    %get3A_275 = arith.constant 0 : index
    %get3A_276 = vector.load %arg3[%get3A_274, %get3A_275] : memref<128x128xf32, #tpu.memory_space<vmem>>, vector<128x128xf32>
    %dot_general3A_277 = arith.constant dense<0.000000e+00> : vector<1024x128xf32>
    %dot_general3A_278 = tpu.matmul %get3A_1, %get3A_276, %dot_general3A_277 {dimension_numbers = #tpu.dot_dimension_numbers<[1], [0], [0], [1], [0, 0, 1, 1], [], []>, transpose_lhs_hint = false} : vector<1024x128xf32>, vector<128x128xf32>, vector<1024x128xf32> -> vector<1024x128xf32>
    %mul3A_279 = vector.broadcast %mul3A_176 : vector<1024x1xf32> to vector<1024x128xf32>
    %mul3A_280 = vector.broadcast %get3A_79 : vector<1x128xf32> to vector<1024x128xf32>
    %mul3A_281 = arith.mulf %mul3A_279, %mul3A_280 : vector<1024x128xf32>
    %add3A_282 = arith.addf %dot_general3A_278, %mul3A_281 : vector<1024x128xf32>
    %mul3A_283 = vector.broadcast %convert_element_type3A_230 : vector<1024x1xf32> to vector<1024x128xf32>
    %mul3A_284 = vector.broadcast %get3A_82 : vector<1x128xf32> to vector<1024x128xf32>
    %mul3A_285 = arith.mulf %mul3A_283, %mul3A_284 : vector<1024x128xf32>
    %add3A_286 = arith.addf %add3A_282, %mul3A_285 : vector<1024x128xf32>
    %mul3A_287 = vector.broadcast %convert_element_type3A_253 : vector<1024x1xf32> to vector<1024x128xf32>
    %mul3A_288 = vector.broadcast %get3A_85 : vector<1x128xf32> to vector<1024x128xf32>
    %mul3A_289 = arith.mulf %mul3A_287, %mul3A_288 : vector<1024x128xf32>
    %add3A_290 = arith.addf %add3A_286, %mul3A_289 : vector<1024x128xf32>
    %swap3A_291 = arith.constant 0 : index
    %swap3A_292 = arith.constant 0 : index
    %swap3A_293 = vector.load %arg6[%swap3A_291, %swap3A_292] : memref<1024x128xf32, #tpu.memory_space<vmem>>, vector<1024x128xf32>
    tpu.vector_store %arg6[%swap3A_291, %swap3A_292], %add3A_290 {strides = array<i32>} : memref<1024x128xf32, #tpu.memory_space<vmem>>, vector<1024x128xf32>,
    %mul3A_294 = arith.constant 1024 : i32
    %mul3A_295 = arith.muli %arg0, %mul3A_294 : i32
    %reduce_min3A = arith.constant dense<0x7F800000> : vector<1024xf32>
    %reduce_min3A_296 = vector.multi_reduction <minimumf>, %select_n3A_75, %reduce_min3A [1] : vector<1024x1024xf32> to vector<1024xf32>
    %broadcast_in_dim3A_297 = vector.shape_cast %reduce_min3A_296 : vector<1024xf32> to vector<1024x1xf32>
    %eq3A_298 = vector.broadcast %broadcast_in_dim3A_297 : vector<1024x1xf32> to vector<1024x1024xf32>
    %eq3A_299 = arith.cmpf oeq, %select_n3A_75, %eq3A_298 : vector<1024x1024xf32>
    %jit3A_300 = arith.constant 2048 : i32
    %broadcast_in_dim3A_301 = vector.broadcast %jit3A_300 : i32 to vector<1024x1024xi32>
    %select_n3A_302 = arith.select %eq3A_299, %iota3A_16, %broadcast_in_dim3A_301 : vector<1024x1024xi1>, vector<1024x1024xi32>
    %reduce_min3A_303 = arith.constant dense<2147483647> : vector<1024xi32>
    %reduce_min3A_304 = vector.multi_reduction <minsi>, %select_n3A_302, %reduce_min3A_303 [1] : vector<1024x1024xi32> to vector<1024xi32>
    %broadcast_in_dim3A_305 = vector.shape_cast %reduce_min3A_304 : vector<1024xi32> to vector<1024x1xi32>
    %add3A_306 = vector.broadcast %mul3A_295 : i32 to vector<1024x1xi32>
    %add3A_307 = arith.addi %broadcast_in_dim3A_305, %add3A_306 : vector<1024x1xi32>
    %eq3A_308 = vector.broadcast %broadcast_in_dim3A_305 : vector<1024x1xi32> to vector<1024x1024xi32>
    %eq3A_309 = arith.cmpi eq, %iota3A_16, %eq3A_308 : vector<1024x1024xi32>
    %jit3A_310 = arith.constant 1.000000e+09 : f32
    %broadcast_in_dim3A_311 = vector.broadcast %jit3A_310 : f32 to vector<1024x1024xf32>
    %select_n3A_312 = arith.select %eq3A_309, %broadcast_in_dim3A_311, %select_n3A_75 : vector<1024x1024xi1>, vector<1024x1024xf32>
    %reduce_min3A_313 = arith.constant dense<0x7F800000> : vector<1024xf32>
    %reduce_min3A_314 = vector.multi_reduction <minimumf>, %select_n3A_312, %reduce_min3A_313 [1] : vector<1024x1024xf32> to vector<1024xf32>
    %broadcast_in_dim3A_315 = vector.shape_cast %reduce_min3A_314 : vector<1024xf32> to vector<1024x1xf32>
    %eq3A_316 = vector.broadcast %broadcast_in_dim3A_315 : vector<1024x1xf32> to vector<1024x1024xf32>
    %eq3A_317 = arith.cmpf oeq, %select_n3A_312, %eq3A_316 : vector<1024x1024xf32>
    %jit3A_318 = arith.constant 2048 : i32
    %broadcast_in_dim3A_319 = vector.broadcast %jit3A_318 : i32 to vector<1024x1024xi32>
    %select_n3A_320 = arith.select %eq3A_317, %iota3A_16, %broadcast_in_dim3A_319 : vector<1024x1024xi1>, vector<1024x1024xi32>
    %reduce_min3A_321 = arith.constant dense<2147483647> : vector<1024xi32>
    %reduce_min3A_322 = vector.multi_reduction <minsi>, %select_n3A_320, %reduce_min3A_321 [1] : vector<1024x1024xi32> to vector<1024xi32>
    %broadcast_in_dim3A_323 = vector.shape_cast %reduce_min3A_322 : vector<1024xi32> to vector<1024x1xi32>
    %add3A_324 = vector.broadcast %mul3A_295 : i32 to vector<1024x1xi32>
    %add3A_325 = arith.addi %broadcast_in_dim3A_323, %add3A_324 : vector<1024x1xi32>
    %eq3A_326 = vector.broadcast %broadcast_in_dim3A_323 : vector<1024x1xi32> to vector<1024x1024xi32>
    %eq3A_327 = arith.cmpi eq, %iota3A_16, %eq3A_326 : vector<1024x1024xi32>
    %jit3A_328 = arith.constant 1.000000e+09 : f32
    %broadcast_in_dim3A_329 = vector.broadcast %jit3A_328 : f32 to vector<1024x1024xf32>
    %select_n3A_330 = arith.select %eq3A_327, %broadcast_in_dim3A_329, %select_n3A_312 : vector<1024x1024xi1>, vector<1024x1024xf32>
    %reduce_min3A_331 = arith.constant dense<0x7F800000> : vector<1024xf32>
    %reduce_min3A_332 = vector.multi_reduction <minimumf>, %select_n3A_330, %reduce_min3A_331 [1] : vector<1024x1024xf32> to vector<1024xf32>
    %broadcast_in_dim3A_333 = vector.shape_cast %reduce_min3A_332 : vector<1024xf32> to vector<1024x1xf32>
    %eq3A_334 = vector.broadcast %broadcast_in_dim3A_333 : vector<1024x1xf32> to vector<1024x1024xf32>
    %eq3A_335 = arith.cmpf oeq, %select_n3A_330, %eq3A_334 : vector<1024x1024xf32>
    %jit3A_336 = arith.constant 2048 : i32
    %broadcast_in_dim3A_337 = vector.broadcast %jit3A_336 : i32 to vector<1024x1024xi32>
    %select_n3A_338 = arith.select %eq3A_335, %iota3A_16, %broadcast_in_dim3A_337 : vector<1024x1024xi1>, vector<1024x1024xi32>
    %reduce_min3A_339 = arith.constant dense<2147483647> : vector<1024xi32>
    %reduce_min3A_340 = vector.multi_reduction <minsi>, %select_n3A_338, %reduce_min3A_339 [1] : vector<1024x1024xi32> to vector<1024xi32>
    %broadcast_in_dim3A_341 = vector.shape_cast %reduce_min3A_340 : vector<1024xi32> to vector<1024x1xi32>
    %add3A_342 = vector.broadcast %mul3A_295 : i32 to vector<1024x1xi32>
    %add3A_343 = arith.addi %broadcast_in_dim3A_341, %add3A_342 : vector<1024x1xi32>
    %broadcast_in_dim3A_344 = arith.constant 0 : i32
    %broadcast_in_dim3A_345 = vector.broadcast %broadcast_in_dim3A_344 : i32 to vector<1024x5xi32>
    %concatenate3A = tpu.concatenate %add3A_307, %add3A_325, %add3A_343, %broadcast_in_dim3A_345 in 1 : vector<1024x1xi32>, vector<1024x1xi32>, vector<1024x1xi32>, vector<1024x5xi32> -> vector<1024x8xi32>
    %swap3A_346 = arith.constant 0 : index
    %swap3A_347 = arith.constant 0 : index
    %swap3A_348 = vector.load %arg8[%swap3A_346, %swap3A_347] : memref<1024x8xi32, #tpu.memory_space<vmem>>, vector<1024x8xi32>
    tpu.vector_store %arg8[%swap3A_346, %swap3A_347], %concatenate3A {strides = array<i32>} : memref<1024x8xi32, #tpu.memory_space<vmem>>, vector<1024x8xi32>,
    return
  }
  func.func @transform_0(%arg0: i32) -> (i32, i32) {
    %c0_i32 = arith.constant 0 : i32
    %c0_i32_0 = arith.constant 0 : i32
    return %arg0, %c0_i32 : i32, i32
  }
  func.func @transform_1(%arg0: i32) -> (i32, i32) {
    %c0_i32 = arith.constant 0 : i32
    %c0_i32_0 = arith.constant 0 : i32
    %c0_i32_1 = arith.constant 0 : i32
    return %c0_i32, %c0_i32_0 : i32, i32
  }
  func.func @transform_2(%arg0: i32) -> (i32, i32) {
    %c0_i32 = arith.constant 0 : i32
    %c0_i32_0 = arith.constant 0 : i32
    %c0_i32_1 = arith.constant 0 : i32
    return %c0_i32, %c0_i32_0 : i32, i32
  }
  func.func @transform_3(%arg0: i32) -> (i32, i32) {
    %c0_i32 = arith.constant 0 : i32
    %c0_i32_0 = arith.constant 0 : i32
    %c0_i32_1 = arith.constant 0 : i32
    return %c0_i32, %c0_i32_0 : i32, i32
  }
  func.func @transform_4(%arg0: i32) -> (i32, i32) {
    %c0_i32 = arith.constant 0 : i32
    %c0_i32_0 = arith.constant 0 : i32
    %c0_i32_1 = arith.constant 0 : i32
    return %c0_i32, %c0_i32_0 : i32, i32
  }
  func.func @transform_5(%arg0: i32) -> (i32, i32) {
    %c0_i32 = arith.constant 0 : i32
    %c0_i32_0 = arith.constant 0 : i32
    return %arg0, %c0_i32 : i32, i32
  }
  func.func @transform_6(%arg0: i32) -> (i32, i32) {
    %c0_i32 = arith.constant 0 : i32
    %c0_i32_0 = arith.constant 0 : i32
    return %arg0, %c0_i32 : i32, i32
  }
  func.func @transform_7(%arg0: i32) -> (i32, i32) {
    %c0_i32 = arith.constant 0 : i32
    %c0_i32_0 = arith.constant 0 : i32
    return %arg0, %c0_i32 : i32, i32
  }
}

</mosaic_0001>

<sc_bundles>
// kernel: kernel.4.cloned.1.call-start
scs
__scs_entry_jumppad:
0x0: {  	(pc) =	sbr.rel $0x88, $3  }
0x1: {  	(tag) =	ssettag $0x0;
	lr =	simm.s32 $0x1  }
0x2: {  	[smem:$0x3F9A] =	sst lr;
	_ =	strace $0xD0000000  }
0x3: {  	_ = 	snop  }
0x4: {  	_ = 	snop  }
0x5: {  	_ = 	snop  }
0x6: {  	_ = 	snop  }
0x7: {  	_ = 	snop  }
__scs_overlays_trampoline_lowered:
0x8: {  	[smem:$0x3FA9] =	sst s0  }
0x9: {  	[smem:$0x3FAA] =	sst s1  }
0xa: {  	[smem:$0x3FAB] =	sst s2  }
0xb: {  	[smem:$0x3FAC] =	sst s3  }
0xc: {  	[smem:$0x3FAD] =	sst s4  }
0xd: {  	[smem:$0x3FAE] =	sst s5  }
0xe: {  	[smem:$0x3FAF] =	sst s6  }
0xf: {  	[smem:$0x3FB0] =	sst s7  }
0x10: {  	[smem:$0x3FB1] =	sst s8  }
0x11: {  	[smem:$0x3FB2] =	sst s9;
	s0 =	simm.s32 @!p0 $0x0  }
0x12: {  	s1 =	sld [smem:$0x3F98];
	s0 =	simm.s32 @p0 $0x1  }
0x13: {  	[smem:$0x3FB3] =	sst s0;
	s0 =	simm.s32 @!p1 $0x0  }
0x14: {  	s2 =	sld [smem:$0x3F97];
	s0 =	simm.s32 @p1 $0x1  }
0x15: {  	[smem:$0x3FB4] =	sst s0;
	s0 =	simm.s32 @!p2 $0x0  }
0x16: {  	s3 =	sld [smem:$0x3FDB];
	s0 =	simm.s32 @p2 $0x1  }
0x17: {  	s4 =	simm.s32 $0x1BF5;
	[smem:$0x3FB6] =	sst s0  }
0x18: {  	s0 =	sld [smem:$0x3F99];
	_ =	swait.ge [sflag:s4], $0x0  }
0x19: {  	s7 =	sld [smem:$0x3F9A]  }
0x1a: {  	s8 =	sadd.s32 $0xFFFFE003, lr  }
0x1b: {  	s9 =	sadd.s32 $0xFFFFFEF7, lr;
	s5 =	simm.s32 $0xFFFFFFFF;
	p2 =	slt.u32 s8, $0xFFFFF086  }
0x1c: {  	p1 =	slt.u32 s9, $0xF7A;
	s5 =	simm.s32 @!p2 $0x0  }
0x1d: {  	s5 =	simm.s32 @p1 $0x1;
	p0 =	seq.s32 s7, s2  }
0x1e: {  	s7 =	smul.u32 @!p0 $0xF7A, s2;
	p2 =	seq.s32 @!p0 s5, $0x0  }
0x1f: {  	s9 =	smul.u32 $0xF7A, s1;
	s8 =	simm.s32 @!p0 $0x1BF5;
	p2 =	por !p2, p0  }
0x20: {  	[sflag:s8] =	ssyncset.s32 @!p0 $0xFFFFF086;
	s6 =	sadd.s32 @!p0 s3, s7;
	s7 =	simm.s32 @!p0 $0x108  }
0x21: {  	s3 =	sadd.s32 s3, s9;
	s6 =	sadd.s32 @!p0 $0x88, s6;
	s7 =	simm.s32 @p2 $0x1082  }
0x22: {  	[simem:s7], [sflag:s8] =	dma.local @!p0 [hbm:s6], $0xF7A  }
0x23: {  	s9 =	sor.u32 $0xD0000000, s2;
	s6 =	simm.s32 $0x108;
	_ =	swait.ge @!p0 [sflag:s8], $0x0  }
0x24: {  	s3 =	sadd.s32 $0x88, s3;
	s6 =	simm.s32 @!p1 $0x1082;
	[sflag:s4] =	ssyncset.s32 $0xFFFFF086  }
0x25: {  	[simem:s6], [sflag:s4] =	dma.local [hbm:s3], $0xF7A  }
0x26: {  	[smem:$0x3F9A] =	sst s1;
	(tag) =	ssettag s2;
	_ =	strace s9  }
0x27: {  	s1 =	sld [smem:$0x3FAA]  }
0x28: {  	s2 =	sld [smem:$0x3FAB]  }
0x29: {  	s4 =	sld [smem:$0x3FAD]  }
0x2a: {  	p0 =	seq.s32 s5, $0x0;
	s5 =	sld [smem:$0x3FAE]  }
0x2b: {  	s6 =	sld [smem:$0x3FAF]  }
0x2c: {  	s7 =	sld [smem:$0x3FB0]  }
0x2d: {  	s3 =	simm.s32 $0x108;
	s8 =	sld [smem:$0x3FB1]  }
0x2e: {  	s3 =	simm.s32 @!p0 $0x1082;
	s9 =	sld [smem:$0x3FB2]  }
0x2f: {  	lr =	sadd.s32 s0, s3;
	s0 =	sld [smem:$0x3FA9]  }
0x30: {  	s3 =	sld [smem:$0x3FAC]  }
0x31: {  	[smem:$0x3FB5] =	sst s10  }
0x32: {  	s10 =	sld [smem:$0x3FB3];
	_ =	sdelay $0x3  }
0x33: {  	p0 =	seq.s32 s10, $0x1;
	s10 =	sld [smem:$0x3FB5];
	_ =	sdelay $0x3  }
0x34: {  	[smem:$0x3FB5] =	sst s10  }
0x35: {  	s10 =	sld [smem:$0x3FB4];
	_ =	sdelay $0x3  }
0x36: {  	p1 =	seq.s32 s10, $0x1;
	s10 =	sld [smem:$0x3FB5];
	_ =	sdelay $0x3  }
0x37: {  	[smem:$0x3FB5] =	sst s10  }
0x38: {  	s10 =	sld [smem:$0x3FB6]  }
0x39: {  	_ = 	snop;
	(pc) =	sbr.ind lr, $3  }
0x3a: {  	_ = 	snop  }
0x3b: {  	_ = 	snop  }
0x3c: {  	p2 =	seq.s32 s10, $0x1;
	s10 =	sld [smem:$0x3FB5]  }
0x3d: {  	_ =	shalt  }
0x3e: {  	_ =	shalt  }
0x3f: {  	_ =	shalt  }
0x40: {  	_ =	shalt  }
0x41: {  	_ =	shalt  }
0x42: {  	_ =	shalt  }
0x43: {  	_ =	shalt  }
0x44: {  	_ =	shalt  }
0x45: {  	_ =	shalt  }
0x46: {  	_ =	shalt  }
0x47: {  	_ =	shalt  }
0x48: {  	_ =	shalt  }
0x49: {  	_ =	shalt  }
0x4a: {  	_ =	shalt  }
0x4b: {  	_ =	shalt  }
0x4c: {  	_ =	shalt  }
0x4d: {  	_ =	shalt  }
0x4e: {  	_ =	shalt  }
0x4f: {  	_ =	shalt  }
0x50: {  	_ =	shalt  }
0x51: {  	_ =	shalt  }
0x52: {  	_ =	shalt  }
0x53: {  	_ =	shalt  }
0x54: {  	_ =	shalt  }
0x55: {  	_ =	shalt  }
0x56: {  	_ =	shalt  }
0x57: {  	_ =	shalt  }
0x58: {  	_ =	shalt  }
0x59: {  	_ =	shalt  }
0x5a: {  	_ =	shalt  }
0x5b: {  	_ =	shalt  }
0x5c: {  	_ =	shalt  }
0x5d: {  	_ =	shalt  }
0x5e: {  	_ =	shalt  }
0x5f: {  	_ =	shalt  }
0x60: {  	_ =	shalt  }
0x61: {  	_ =	shalt  }
0x62: {  	_ =	shalt  }
0x63: {  	_ =	shalt  }
0x64: {  	_ =	shalt  }
0x65: {  	_ =	shalt  }
0x66: {  	_ =	shalt  }
0x67: {  	_ =	shalt  }
0x68: {  	_ =	shalt  }
0x69: {  	_ =	shalt  }
0x6a: {  	_ =	shalt  }
0x6b: {  	_ =	shalt  }
0x6c: {  	_ =	shalt  }
0x6d: {  	_ =	shalt  }
0x6e: {  	_ =	shalt  }
0x6f: {  	_ =	shalt  }
0x70: {  	_ =	shalt  }
0x71: {  	_ =	shalt  }
0x72: {  	_ =	shalt  }
0x73: {  	_ =	shalt  }
0x74: {  	_ =	shalt  }
0x75: {  	_ =	shalt  }
0x76: {  	_ =	shalt  }
0x77: {  	_ =	shalt  }
0x78: {  	_ =	shalt  }
0x79: {  	_ =	shalt  }
0x7a: {  	_ =	shalt  }
0x7b: {  	_ =	shalt  }
0x7c: {  	_ =	shalt  }
0x7d: {  	_ =	shalt  }
0x7e: {  	_ =	shalt  }
0x7f: {  	_ =	shalt  }
0x80: {  	_ =	shalt  }
0x81: {  	_ =	shalt  }
0x82: {  	_ =	shalt  }
0x83: {  	_ =	shalt  }
0x84: {  	_ =	shalt  }
0x85: {  	_ =	shalt  }
0x86: {  	_ =	shalt  }
0x87: {  	_ =	shalt  }
.Lfunc_end0:
.L_simem_size_0:
called_computation_lowered:
.L_overlay_start_0:
0x88: {  	s2 =	sld [smem:$0x3FD9]  }
0x89: {  	s3 =	sld [smem:$0x3FFE];
	_ =	sdelay $0x1  }
0x8a: {  	s1 =	srdreg.scid  }
0x8b: {  	s0 =	sand.u32 $0x1, s1  }
0x8c: {  	s17 =	sshll.u32 s0, $0xA;
	s2 =	sadd.s32 s3, s2  }
0x8d: {  	s2 =	sadd.s32 s2, s17  }
0x8e: {  	[smem:$0x3FC1] =	sst s2  }
0x8f: {  	_ = 	snop  }
0x90: {  	s2 =	sld [smem:$0x3FD0];
	(tm) =	ssettm $0x1  }
0x91: {  	s18 =	sld [smem:$0x3FFB];
	_ =	sdelay $0x3  }
0x92: {  	_ =	strace s18  }
0x93: {  	s3 =	sld [smem:$0x3FFC];
	_ =	sdelay $0x3  }
0x94: {  	_ =	strace s3  }
0x95: {  	s3 =	sld [smem:$0x3FFD];
	_ =	sdelay $0x3  }
0x96: {  	_ =	strace s3  }
0x97: {  	_ =	strace $0x8FFFFFFF  }
0x98: {  	s19 =	sld [smem:$0x3FDB];
	_ =	sdelay $0x1  }
0x99: {  	s4 =	simm.s32 $_scs_section_size  }
0x9a: {  	s5 =	simm.s32 $_size__tile_overlayer_lowered;
	s6 =	simm.s32 $_tile_overlayer_lowered  }
0x9b: {  	s22 =	simm.s32 $0x1BFF;
	s21 =	sshll.u32 s6, $0x1;
	s3 =	sadd.s32 s4, s19  }
0x9c: {  	s7 =	simm.s32 $0x0;
	s20 =	sshll.u32 s5, $0x1;
	s5 =	sadd.s32 s21, s3  }
0x9d: {  	[timem:s7], [sflag:s22] =	dma.local [hbm:s5], s20  }
0x9e: {  	_ =	swait.ge [sflag:s22], s20  }
0x9f: {  	s4 =	ssub.s32 $0x0, s20;
	[sflag:s22] =	ssyncset.done $0x0  }
0xa0: {  	[sflag:s22] =	ssyncadd.s32 s4;
	_ =	sdelay $0x1  }
0xa1: {  	s23 =	simm.s32 $0x1B8B  }
0xa2: {  	_ =	swait.ge [sflag:s23], $0x1  }
0xa3: {  	[sflag:s23] =	ssyncset.done $0x0  }
0xa4: {  	s25 =	simm.s32 $0x1B8E;
	s24 =	sld [smem:$0x3FFE];
	[sflag:s23] =	ssyncadd.s32 $0xFFFFFFFF  }
0xa5: {  	s26 =	simm.s32 $execute0_lowered;
	[smem:$0x3FD2] =	sst s25  }
0xa6: {  	s5 =	sshll.u32 s26, $0x1;
	_ =	strace $0x80000046;
	[dreg:$0x1] =	wrdreg $0xFFFFFFFF  }
0xa7: {  	s28 =	simm.s32 $_size_execute0_lowered;
	s3 =	sadd.s32 s3, s5;
	[dreg:$0x0] =	wrdreg $0x0  }
0xa8: {  	s5 =	sshll.u32 s28, $0x1;
	[dreg:$0x2] =	wrdreg s3  }
0xa9: {  	[dreg:$0x3] =	wrdreg s5  }
0xaa: {  	[dreg:$0x4] =	wrdreg $0xC0  }
0xab: {  	_ =	task [dreg:s7], $0x5FFFF  }
0xac: {  	[dreg:$0x1] =	wrdreg $0xFFFFFFFF  }
0xad: {  	[dreg:$0x0] =	wrdreg $0x60  }
0xae: {  	[dreg:$0x2] =	wrdreg s24  }
0xaf: {  	[dreg:$0x3] =	wrdreg s2  }
0xb0: {  	[dreg:$0x4] =	wrdreg $0x9  }
0xb1: {  	_ =	task.clear_ibuf [dreg:s7], $0x5FFFF;
	_ =	strace $0x90000046  }
0xb2: {  	s29 =	simm.s32 $0x9;
	_ =	strace $0x80000048  }
0xb3: {  	_ =	swait.ge [sflag:s29], $0x1  }
0xb4: {  	[sflag:s29] =	ssyncadd.s32 $0xFFFFFFFF  }
0xb5: {  	_ =	strace $0x90000048  }
0xb6: {  	_ =	sfence  }
0xb7: {  	s30 =	sld [smem:$0x0];
	_ =	sdelay $0x2  }
0xb8: {  	s31 =	sshll.u32 s1, $0xD;
	s1 =	sshrl.u32 s1, $0x2  }
0xb9: {  	s3 =	sand.u32 $0x4000, s31;
	s1 =	sadd.s32 s1, s30  }
0xba: {  	s0 =	sor.u32 s3, s0;
	s1 =	sshll.u32 s1, $0x11  }
0xbb: {  	s0 =	sor.u32 s1, s0  }
0xbc: {  	s0 =	sadd.s32 $0x8F2B, s0  }
0xbd: {  	[sflag:s0] =	ssyncadd.remote.s32 $0x1  }
0xbe: {  	_ =	sfence.sel $0xFFFF  }
0xbf: {  	[dreg:$0x0] =	wrdreg $0xFFFFFFFF;
	(pc) =	sbr.abs _section_cstart, $3  }
0xc0: {  	[dreg:$0x1] =	wrdreg $0xFFFFFFFF  }
0xc1: {  	_ =	task.clear_ibuf [dreg:s7], $0x2FFFF;
	_ =	strace $0x9FFFFFFF  }
0xc2: {  	(tm) =	ssettm $0x7FFFFFFF  }
0xc3: {  	_ =	shalt  }
tec
execute0_lowered:
.L_overlay_start_1:
0x0: {  	(tag) =	ssettag $0x1  }
0x1: {  	s1 =	srdreg.scid  }
0x2: {  	s12 =	rddreg [dreg:$0x0];
	s0 =	stileid.u32;
	s22 =	sand.u32 $0x1, s1  }
0x3: {  	s21 =	rddreg [dreg:$0x1];
	s3 =	sshll.u32 s0, $0x9;
	s4 =	sshll.u32 s22, $0x8  }
0x4: {  	s2 =	simm.s32 $0x0;
	s1 =	rddreg [dreg:$0x2];
	s17 =	sor.u32 s4, s3  }
0x5: {  	[smem:$0x7FF] =	sst s2;
	s18 =	sadd.s32 $0x40A00, s12;
	s7 =	sshrl.u32 s17, $0x3  }
0x6: {  	_ =	strace $0x80000047;
	s3 =	simm.s32 $0x2;
	s4 =	sadd.s32 s18, s7  }
0x7: {  	[tilespmem:s2], [sflag:$0x2] =	stream.linear.gather [hbm4b:s4+s2], $0x80, $0x38;
	[tilespmem:$0x10180] =	vst v63  }
0x8: {  	_ =	swait.ge [sflag:s3], $0x80  }
0x9: {  	s19 =	sadd.s32 $0x40600, s12;
	[sflag:s3] =	ssyncset.done $0x0  }
0xa: {  	s6 =	simm.s32 $0x80;
	s5 =	sadd.s32 s19, s7;
	[sflag:s3] =	ssyncadd.s32 $0xFFFFFF80  }
0xb: {  	[tilespmem:s6], [sflag:$0x2] =	stream.linear.gather [hbm4b:s5+s2], $0x80, $0x38;
	[tilespmem:$0x10180] =	vst v63  }
0xc: {  	_ =	swait.ge [sflag:s3], $0x80  }
0xd: {  	s20 =	sadd.s32 $0x40200, s12;
	[sflag:s3] =	ssyncset.done $0x0  }
0xe: {  	s8 =	simm.s32 $0x100;
	s7 =	sadd.s32 s20, s7;
	[sflag:s3] =	ssyncadd.s32 $0xFFFFFF80  }
0xf: {  	[tilespmem:s8], [sflag:$0x2] =	stream.linear.gather [hbm4b:s7+s2], $0x80, $0x38;
	[tilespmem:$0x10180] =	vst v63  }
0x10: {  	_ =	swait.ge [sflag:s3], $0x80  }
0x11: {  	[sflag:s3] =	ssyncset.done $0x0  }
0x12: {  	s10 =	simm.s32 $0x180;
	s9 =	sadd.s32 $0x200, s12;
	[sflag:s3] =	ssyncadd.s32 $0xFFFFFF80  }
0x13: {  	[tilespmem:s10], [sflag:$0x1] =	stream.indirect.gather [hbm4b:s9+s6], $0x80, s2, s6, $0xb8;
	[tilespmem:$0x10180] =	vst v63  }
0x14: {  	s11 =	simm.s32 $0x4180  }
0x15: {  	[tilespmem:s11], [sflag:$0x1] =	stream.indirect.gather [hbm4b:s9+s6], $0x80, s6, s6, $0xb8;
	[tilespmem:$0x10180] =	vst v63  }
0x16: {  	s23 =	sadd.s32 $0x20200, s12;
	s12 =	simm.s32 $0x8180;
	s16 =	sshll.u32 s17, $0x4  }
0x17: {  	[tilespmem:s12], [sflag:$0x1] =	stream.indirect.gather [hbm4b:s9+s6], $0x80, s8, s6, $0xb8;
	[tilespmem:$0x10180] =	vst v63  }
0x18: {  	s14 =	simm.s32 $0xC180;
	s13 =	sadd.s32 s23, s16  }
0x19: {  	[tilespmem:s14], [sflag:$0x2] =	stream.linear.gather [hbm4b:s13+s2], $0x4000, $0x38;
	[tilespmem:$0x10180] =	vst v63  }
0x1a: {  	_ =	swait.ge [sflag:s3], $0x4000  }
0x1b: {  	[sflag:s3] =	ssyncset.done $0x0  }
0x1c: {  	s15 =	simm.s32 $0x1;
	[sflag:s3] =	ssyncadd.s32 $0xFFFFC000  }
0x1d: {  	_ =	swait.ge [sflag:s15], $0x4000  }
0x1e: {  	[sflag:s15] =	ssyncset.done $0x0  }
0x1f: {  	[sflag:s15] =	ssyncadd.s32 $0xFFFFC000  }
0x20: {  	_ =	swait.ge [sflag:s15], $0x4000  }
0x21: {  	[sflag:s15] =	ssyncset.done $0x0  }
0x22: {  	[sflag:s15] =	ssyncadd.s32 $0xFFFFC000  }
0x23: {  	_ =	swait.ge [sflag:s15], $0x4000  }
0x24: {  	[sflag:s15] =	ssyncset.done $0x0  }
0x25: {  	s16 =	sadd.s32 s21, s16;
	[sflag:s15] =	ssyncadd.s32 $0xFFFFC000  }
0x26: {  	[hbm4b:s16+s2] =	stream.linear.scatter [tilespmem:s14], [sflag:$0x2], $0x4000, $0x38;
	[tilespmem:$0x10180] =	vst v63  }
0x27: {  	s24 =	sor.u32 $0x80, s17;
	_ =	swait.ge [sflag:s3], $0x4000  }
0x28: {  	s25 =	sshrl.u32 s24, $0x3;
	[sflag:s3] =	ssyncset.done $0x0  }
0x29: {  	s17 =	sadd.s32 s18, s25;
	[sflag:s3] =	ssyncadd.s32 $0xFFFFC000  }
0x2a: {  	[tilespmem:s2], [sflag:$0x2] =	stream.linear.gather [hbm4b:s17+s2], $0x80, $0x38;
	[tilespmem:$0x10180] =	vst v63  }
0x2b: {  	_ =	swait.ge [sflag:s3], $0x80  }
0x2c: {  	[sflag:s3] =	ssyncset.done $0x0  }
0x2d: {  	s18 =	sadd.s32 s19, s25;
	[sflag:s3] =	ssyncadd.s32 $0xFFFFFF80  }
0x2e: {  	[tilespmem:s6], [sflag:$0x2] =	stream.linear.gather [hbm4b:s18+s2], $0x80, $0x38;
	[tilespmem:$0x10180] =	vst v63  }
0x2f: {  	_ =	swait.ge [sflag:s3], $0x80  }
0x30: {  	[sflag:s3] =	ssyncset.done $0x0  }
0x31: {  	s19 =	sadd.s32 s20, s25;
	[sflag:s3] =	ssyncadd.s32 $0xFFFFFF80  }
0x32: {  	[tilespmem:s8], [sflag:$0x2] =	stream.linear.gather [hbm4b:s19+s2], $0x80, $0x38;
	[tilespmem:$0x10180] =	vst v63  }
0x33: {  	_ =	swait.ge [sflag:s3], $0x80  }
0x34: {  	[sflag:s3] =	ssyncset.done $0x0  }
0x35: {  	[sflag:s3] =	ssyncadd.s32 $0xFFFFFF80  }
0x36: {  	[tilespmem:s10], [sflag:$0x1] =	stream.indirect.gather [hbm4b:s9+s6], $0x80, s2, s6, $0xb8;
	[tilespmem:$0x10180] =	vst v63  }
0x37: {  	_ = 	snop  }
0x38: {  	[tilespmem:s11], [sflag:$0x1] =	stream.indirect.gather [hbm4b:s9+s6], $0x80, s6, s6, $0xb8;
	[tilespmem:$0x10180] =	vst v63  }
0x39: {  	s24 =	sshll.u32 s24, $0x4  }
0x3a: {  	[tilespmem:s12], [sflag:$0x1] =	stream.indirect.gather [hbm4b:s9+s6], $0x80, s8, s6, $0xb8;
	[tilespmem:$0x10180] =	vst v63  }
0x3b: {  	s20 =	sadd.s32 s23, s24  }
0x3c: {  	[tilespmem:s14], [sflag:$0x2] =	stream.linear.gather [hbm4b:s20+s2], $0x4000, $0x38;
	[tilespmem:$0x10180] =	vst v63  }
0x3d: {  	_ =	swait.ge [sflag:s3], $0x4000  }
0x3e: {  	[sflag:s3] =	ssyncset.done $0x0  }
0x3f: {  	[sflag:s3] =	ssyncadd.s32 $0xFFFFC000  }
0x40: {  	_ =	swait.ge [sflag:s15], $0x4000  }
0x41: {  	[sflag:s15] =	ssyncset.done $0x0  }
0x42: {  	s22 =	ssub.s32 $0x2, s22;
	[sflag:s15] =	ssyncadd.s32 $0xFFFFC000  }
0x43: {  	s31 =	sshrl.u32 s22, $0x1;
	_ =	swait.ge [sflag:s15], $0x4000  }
0x44: {  	s22 =	ssub.s32 s22, s31;
	[sflag:s15] =	ssyncset.done $0x0  }
0x45: {  	s22 =	smax.u32 s22, $0x1;
	[sflag:s15] =	ssyncadd.s32 $0xFFFFC000  }
0x46: {  	p0 =	sne.s32 s22, $0x1;
	_ =	swait.ge [sflag:s15], $0x4000  }
.Ltmp0:
0x47: {  	[sflag:s15] =	ssyncset.done $0x0;
	(pc) =	sbr.rel @!p0 .LBB2_2-.Ltmp0, $4  }
0x48: {  	s21 =	sadd.s32 s21, s24;
	[sflag:s15] =	ssyncadd.s32 $0xFFFFC000  }
0x49: {  	[hbm4b:s21+s2] =	stream.linear.scatter [tilespmem:s14], [sflag:$0x2], $0x4000, $0x38;
	[tilespmem:$0x10180] =	vst v63  }
0x4a: {  	_ =	swait.ge [sflag:s3], $0x4000  }
0x4b: {  	s22 =	sadd.s32 $0xFFFFFFFF, s22;
	[sflag:s3] =	ssyncset.done $0x0  }
.LBB2_1:
0x4c: {  	p0 =	sne.s32 s22, $0x1;
	s22 =	sadd.s32 $0xFFFFFFFF, s22;
	[sflag:s3] =	ssyncadd.s32 $0xFFFFC000  }
0x4d: {  	[tilespmem:s2], [sflag:$0x2] =	stream.linear.gather [hbm4b:s4+s2], $0x80, $0x38;
	[tilespmem:$0x10180] =	vst v63  }
0x4e: {  	_ =	swait.ge [sflag:s3], $0x80  }
0x4f: {  	[sflag:s3] =	ssyncset.done $0x0  }
0x50: {  	[sflag:s3] =	ssyncadd.s32 $0xFFFFFF80  }
0x51: {  	[tilespmem:s6], [sflag:$0x2] =	stream.linear.gather [hbm4b:s5+s2], $0x80, $0x38;
	[tilespmem:$0x10180] =	vst v63  }
0x52: {  	_ =	swait.ge [sflag:s3], $0x80  }
0x53: {  	[sflag:s3] =	ssyncset.done $0x0  }
0x54: {  	[sflag:s3] =	ssyncadd.s32 $0xFFFFFF80  }
0x55: {  	[tilespmem:s8], [sflag:$0x2] =	stream.linear.gather [hbm4b:s7+s2], $0x80, $0x38;
	[tilespmem:$0x10180] =	vst v63  }
0x56: {  	_ =	swait.ge [sflag:s3], $0x80  }
0x57: {  	[sflag:s3] =	ssyncset.done $0x0  }
0x58: {  	[sflag:s3] =	ssyncadd.s32 $0xFFFFFF80  }
0x59: {  	[tilespmem:s10], [sflag:$0x1] =	stream.indirect.gather [hbm4b:s9+s6], $0x80, s2, s6, $0xb8;
	[tilespmem:$0x10180] =	vst v63  }
0x5a: {  	_ = 	snop  }
0x5b: {  	[tilespmem:s11], [sflag:$0x1] =	stream.indirect.gather [hbm4b:s9+s6], $0x80, s6, s6, $0xb8;
	[tilespmem:$0x10180] =	vst v63  }
0x5c: {  	_ = 	snop  }
0x5d: {  	[tilespmem:s12], [sflag:$0x1] =	stream.indirect.gather [hbm4b:s9+s6], $0x80, s8, s6, $0xb8;
	[tilespmem:$0x10180] =	vst v63  }
0x5e: {  	_ = 	snop  }
0x5f: {  	[tilespmem:s14], [sflag:$0x2] =	stream.linear.gather [hbm4b:s13+s2], $0x4000, $0x38;
	[tilespmem:$0x10180] =	vst v63  }
0x60: {  	_ =	swait.ge [sflag:s3], $0x4000  }
0x61: {  	[sflag:s3] =	ssyncset.done $0x0  }
0x62: {  	[sflag:s3] =	ssyncadd.s32 $0xFFFFC000  }
0x63: {  	_ =	swait.ge [sflag:s15], $0x4000  }
0x64: {  	[sflag:s15] =	ssyncset.done $0x0  }
0x65: {  	[sflag:s15] =	ssyncadd.s32 $0xFFFFC000  }
0x66: {  	_ =	swait.ge [sflag:s15], $0x4000  }
0x67: {  	[sflag:s15] =	ssyncset.done $0x0  }
0x68: {  	[sflag:s15] =	ssyncadd.s32 $0xFFFFC000  }
0x69: {  	_ =	swait.ge [sflag:s15], $0x4000  }
0x6a: {  	[sflag:s15] =	ssyncset.done $0x0  }
0x6b: {  	[sflag:s15] =	ssyncadd.s32 $0xFFFFC000  }
0x6c: {  	[hbm4b:s16+s2] =	stream.linear.scatter [tilespmem:s14], [sflag:$0x2], $0x4000, $0x38;
	[tilespmem:$0x10180] =	vst v63  }
0x6d: {  	_ =	swait.ge [sflag:s3], $0x4000  }
0x6e: {  	[sflag:s3] =	ssyncset.done $0x0  }
0x6f: {  	[sflag:s3] =	ssyncadd.s32 $0xFFFFC000  }
0x70: {  	[tilespmem:s2], [sflag:$0x2] =	stream.linear.gather [hbm4b:s17+s2], $0x80, $0x38;
	[tilespmem:$0x10180] =	vst v63  }
0x71: {  	_ =	swait.ge [sflag:s3], $0x80  }
0x72: {  	[sflag:s3] =	ssyncset.done $0x0  }
0x73: {  	[sflag:s3] =	ssyncadd.s32 $0xFFFFFF80  }
0x74: {  	[tilespmem:s6], [sflag:$0x2] =	stream.linear.gather [hbm4b:s18+s2], $0x80, $0x38;
	[tilespmem:$0x10180] =	vst v63  }
0x75: {  	_ =	swait.ge [sflag:s3], $0x80  }
0x76: {  	[sflag:s3] =	ssyncset.done $0x0  }
0x77: {  	[sflag:s3] =	ssyncadd.s32 $0xFFFFFF80  }
0x78: {  	[tilespmem:s8], [sflag:$0x2] =	stream.linear.gather [hbm4b:s19+s2], $0x80, $0x38;
	[tilespmem:$0x10180] =	vst v63  }
0x79: {  	_ =	swait.ge [sflag:s3], $0x80  }
0x7a: {  	[sflag:s3] =	ssyncset.done $0x0  }
0x7b: {  	[sflag:s3] =	ssyncadd.s32 $0xFFFFFF80  }
0x7c: {  	[tilespmem:s10], [sflag:$0x1] =	stream.indirect.gather [hbm4b:s9+s6], $0x80, s2, s6, $0xb8;
	[tilespmem:$0x10180] =	vst v63  }
0x7d: {  	_ = 	snop  }
0x7e: {  	[tilespmem:s11], [sflag:$0x1] =	stream.indirect.gather [hbm4b:s9+s6], $0x80, s6, s6, $0xb8;
	[tilespmem:$0x10180] =	vst v63  }
0x7f: {  	_ = 	snop  }
0x80: {  	[tilespmem:s12], [sflag:$0x1] =	stream.indirect.gather [hbm4b:s9+s6], $0x80, s8, s6, $0xb8;
	[tilespmem:$0x10180] =	vst v63  }
0x81: {  	_ = 	snop  }
0x82: {  	[tilespmem:s14], [sflag:$0x2] =	stream.linear.gather [hbm4b:s20+s2], $0x4000, $0x38;
	[tilespmem:$0x10180] =	vst v63  }
0x83: {  	_ =	swait.ge [sflag:s3], $0x4000  }
0x84: {  	[sflag:s3] =	ssyncset.done $0x0  }
0x85: {  	[sflag:s3] =	ssyncadd.s32 $0xFFFFC000  }
0x86: {  	_ =	swait.ge [sflag:s15], $0x4000  }
0x87: {  	[sflag:s15] =	ssyncset.done $0x0  }
0x88: {  	[sflag:s15] =	ssyncadd.s32 $0xFFFFC000  }
0x89: {  	_ =	swait.ge [sflag:s15], $0x4000  }
0x8a: {  	[sflag:s15] =	ssyncset.done $0x0  }
0x8b: {  	[sflag:s15] =	ssyncadd.s32 $0xFFFFC000  }
0x8c: {  	_ =	swait.ge [sflag:s15], $0x4000  }
.Ltmp1:
0x8d: {  	[sflag:s15] =	ssyncset.done $0x0;
	(pc) =	sbr.rel @p0 .LBB2_1-.Ltmp1, $4  }
0x8e: {  	[sflag:s15] =	ssyncadd.s32 $0xFFFFC000  }
0x8f: {  	[hbm4b:s21+s2] =	stream.linear.scatter [tilespmem:s14], [sflag:$0x2], $0x4000, $0x38;
	[tilespmem:$0x10180] =	vst v63  }
0x90: {  	_ =	swait.ge [sflag:s3], $0x4000  }
0x91: {  	[sflag:s3] =	ssyncset.done $0x0  }
.LBB2_2:
0x92: {  	[sflag:s3] =	ssyncadd.s32 $0xFFFFC000  }
0x93: {  	_ =	sfence.sel $0x180000  }
0x94: {  	[bflag:$0x0] =	sbarrier.arrive $0xFFFF  }
0x95: {  	p0 =	sne.s32 s0, $0x0;
	_ =	strace $0x90000047  }
0x96: {  	s0 =	sadd.s32 @!p0 $0x100000, s1;
	[bflag:$0x2] =	sbarrier.arrive $0xFFFF  }
0x97: {  	[sflag:s0] =	ssyncadd.tile.s32 @!p0 $0x1;
	_ =	shalt  }
.Lfunc_end2:
_tile_overlayer_lowered:
.L_overlay_start_2:
0x98: {  	(tag) =	ssettag $0x2  }
0x99: {  	s0 =	rddreg [dreg:$0x0];
	s2 =	stileid.u32  }
0x9a: {  	s1 =	rddreg [dreg:$0x1];
	p0 =	sne.s32 s2, $0x0  }
0x9b: {  	s3 =	rddreg [dreg:$0x2];
	[bflag:$0x3] =	sbarrier.arrive $0xFFFF;
	s2 =	simm.s32 @!p0 $0x1C02  }
0x9c: {  	[timem:s3], [sflag:s2] =	dma.local @!p0 [hbm:s0], s1  }
0x9d: {  	s0 =	simm.s32 @!p0 $0x2  }
0x9e: {  	_ =	swait.ge @!p0 [sflag:s0], s1  }
0x9f: {  	s1 =	ssub.s32 @!p0 $0x0, s1;
	[sflag:s0] =	ssyncset.done @!p0 $0x0  }
0xa0: {  	[sflag:s0] =	ssyncadd.s32 @!p0 s1  }
0xa1: {  	[bflag:$0x3] =	sbarrier.arrive $0xFFFF  }
0xa2: {  	_ =	shalt  }

</sc_bundles>
